<compile_context>
chip_gen: v7x
topology: tpu7x:2x2x1
jax: 0.10.2.dev20260603
libtpu: 0.0.44.dev20260713+nightly
codegen_flags: <defaults>
</compile_context>

<pallas_src>
import functools

import jax
import jax.numpy as jnp
from jax import lax
from jax.experimental import pallas as pl
from jax.experimental.pallas import tpu as pltpu
from jax.experimental.pallas import tpu_sc as plsc

_SITE = 1024
_TLEN = 24
_EMB = 64
_BATCH = 16
_N = _BATCH * _TLEN * _SITE

_NC = 2
_NS = 16
_NW = _NC * _NS
_BPW = _N // _NW
_IDXW = 128
_ROWS_PER_W = _BPW // _IDXW
_CHUNK_ROWS = 4
_CHUNK = _CHUNK_ROWS * _IDXW
_NCHUNK = _ROWS_PER_W // _CHUNK_ROWS


def _gather_chunk(table_hbm, idx_v, rows, sem, c):
  handles = []
  for k in range(_CHUNK_ROWS):
    handles.append(
        pltpu.async_copy(
            table_hbm.at[idx_v.at[c * _CHUNK_ROWS + k]],
            rows.at[pl.ds(k * _IDXW, _IDXW)],
            sem,
        )
    )
  return handles


@functools.partial(
    pl.kernel,
    out_type=(
        jax.ShapeDtypeStruct((_N, _EMB), jnp.float32),
        jax.ShapeDtypeStruct((_N, _EMB), jnp.float32),
    ),
    mesh=plsc.VectorSubcoreMesh(core_axis_name="c", subcore_axis_name="s"),
    scratch_types=[
        pltpu.VMEM((_ROWS_PER_W, _IDXW), jnp.int32),
        pltpu.VMEM((_CHUNK, _EMB), jnp.float32),
        pltpu.VMEM((_CHUNK, _EMB), jnp.float32),
        pltpu.SemaphoreType.DMA,
        pltpu.SemaphoreType.DMA,
        pltpu.SemaphoreType.DMA,
        pltpu.SemaphoreType.DMA,
    ],
    compiler_params=pltpu.CompilerParams(use_tc_tiling_on_sc=False),
)
def _emb_lookup(dow_hbm, m_hbm, week_hbm, minute_hbm, w_out, m_out,
                idx_v, rows_a, rows_b, gs_a, gs_b, os_a, os_b):
  wid = lax.axis_index("s") * _NC + lax.axis_index("c")
  out_base = wid * _BPW

  def run_table(idx_hbm, table_hbm, out_hbm):
    pltpu.sync_copy(idx_hbm.at[pl.ds(wid * _ROWS_PER_W, _ROWS_PER_W)], idx_v)

    @pl.loop(0, _NCHUNK, step=2)
    def _chunks(c):
      ha = _gather_chunk(table_hbm, idx_v, rows_a, gs_a, c)
      hb = _gather_chunk(table_hbm, idx_v, rows_b, gs_b, c + 1)
      for h in ha:
        h.wait()
      oa = pltpu.async_copy(
          rows_a, out_hbm.at[pl.ds(out_base + c * _CHUNK, _CHUNK)], os_a)
      for h in hb:
        h.wait()
      ob = pltpu.async_copy(
          rows_b, out_hbm.at[pl.ds(out_base + (c + 1) * _CHUNK, _CHUNK)], os_b)
      oa.wait()
      ob.wait()

  run_table(dow_hbm, week_hbm, w_out)
  run_table(m_hbm, minute_hbm, m_out)


def kernel(Dow, M, position_table, week_table, minute_table):
  dow2 = Dow.reshape(_N // _IDXW, _IDXW)
  m2 = M.reshape(_N // _IDXW, _IDXW)
  w_flat, m_flat = _emb_lookup(dow2, m2, week_table, minute_table)
  w_emd = w_flat.reshape(_BATCH, _TLEN, _SITE, _EMB)
  m_emd = m_flat.reshape(_BATCH, _TLEN, _SITE, _EMB)
  p_emd = position_table.reshape(1, 1, _SITE, _EMB)
  return (w_emd, m_emd, p_emd)

# --- scband reference (transcript-rebuilt; emitter-appended) ---
"""Pipeline reference for scband-embedding-53446573031788 (READ-ONLY COPY).

The authoritative reference and input builder live on the scoring server;
editing this copy changes nothing except your own understanding.
"""

import jax, jax.numpy as jnp
import numpy as np

SITE_NUM = 1024
TOTAL_LEN = 24  # input_length 12 + output_length 12
EMB = 64
MINUTE_VOCAB = 24 * 60 // 15  # 96
BATCH = 16


def setup_inputs(seed: int = 0) -> dict:
    key = jax.random.key(seed)
    ks = jax.random.split(key, 5)
    Dow = jax.random.randint(ks[0], (BATCH, TOTAL_LEN, SITE_NUM), 0, 7, dtype=jnp.int32)
    M = jax.random.randint(ks[1], (BATCH, TOTAL_LEN, SITE_NUM), 0, MINUTE_VOCAB, dtype=jnp.int32)
    position_table = jax.random.normal(ks[2], (SITE_NUM, EMB), dtype=jnp.float32) * 0.02
    week_table = jax.random.normal(ks[3], (7, EMB), dtype=jnp.float32) * 0.02
    minute_table = jax.random.normal(ks[4], (MINUTE_VOCAB, EMB), dtype=jnp.float32) * 0.02
    return {
        "Dow": Dow,
        "M": M,
        "position_table": position_table,
        "week_table": week_table,
        "minute_table": minute_table,
    }


def reference(Dow, M, position_table, week_table, minute_table):
    site_num = position_table.shape[0]
    emb = position_table.shape[1]
    total_len = TOTAL_LEN
    # position embedding: lookup of arange(site_num), shaped (1, 1, site_num, emb)
    site_idx = jnp.arange(site_num, dtype=jnp.int32)[None, :]  # buffer site_num_tensor
    p_emd = jnp.take(position_table, site_idx.reshape(-1), axis=0)
    p_emd = p_emd.reshape(1, site_num, emb)
    p_emd = p_emd[None, ...]  # unsqueeze(0) -> (1, 1, site_num, emb)
    # week embedding
    w_emd = jnp.take(week_table, Dow.reshape(-1, site_num), axis=0)
    w_emd = w_emd.reshape(-1, total_len, site_num, emb)
    # minute embedding
    m_emd = jnp.take(minute_table, M.reshape(-1, site_num), axis=0)
    m_emd = m_emd.reshape(-1, total_len, site_num, emb)
    # original returns ([w_emd, m_emd], p_emd); flatten to a tuple of arrays
    return (w_emd, m_emd, p_emd)

if __name__ == "__main__":
    import jax
    _d = setup_inputs()
    print(jax.jit(kernel)(*tuple(_d.values())))

</pallas_src>

<mosaic_0001>
#map = affine_map<(d0, d1) -> (0, 0)>
module attributes {stable_mosaic.version = 14 : i64} {
  func.func @_emb_lookup(%arg0: i32, %arg1: i32, %arg2: memref<3072x128xi32, #tpu.memory_space<hbm>>, %arg3: memref<3072x128xi32, #tpu.memory_space<hbm>>, %arg4: memref<7x64xf32, #tpu.memory_space<hbm>>, %arg5: memref<96x64xf32, #tpu.memory_space<hbm>>, %arg6: memref<393216x64xf32, #tpu.memory_space<hbm>>, %arg7: memref<393216x64xf32, #tpu.memory_space<hbm>>, %arg8: memref<96x128xi32, #tpu.memory_space<vmem>>, %arg9: memref<512x64xf32, #tpu.memory_space<vmem>>, %arg10: memref<512x64xf32, #tpu.memory_space<vmem>>, %arg11: memref<!tpu.dma_semaphore, #tpu.memory_space<semaphore_mem>>, %arg12: memref<!tpu.dma_semaphore, #tpu.memory_space<semaphore_mem>>, %arg13: memref<!tpu.dma_semaphore, #tpu.memory_space<semaphore_mem>>, %arg14: memref<!tpu.dma_semaphore, #tpu.memory_space<semaphore_mem>>) attributes {dimension_semantics = [#tpu.dimension_semantics<core_parallel>, #tpu.dimension_semantics<subcore_parallel>], iteration_bounds = array<i64: 2, 16>, scalar_prefetch = 0 : i64, scratch_operands = 7 : i64, tpu.core_type = #tpu.core_type<sc_vector_subcore>, window_params = [{transform_indices = #map}, {transform_indices = #map}, {transform_indices = #map}, {transform_indices = #map}, {transform_indices = #map}, {transform_indices = #map}]} {
    %mul3A = arith.constant 2 : i32
    %mul3A_0 = arith.muli %arg1, %mul3A : i32
    %add3A = arith.addi %mul3A_0, %arg0 : i32
    %mul3A_1 = arith.constant 12288 : i32
    %mul3A_2 = arith.muli %add3A, %mul3A_1 : i32
    %mul3A_3 = arith.constant 96 : i32
    %mul3A_4 = arith.muli %add3A, %mul3A_3 : i32
    "tpu.region"() ({
      %run_scoped3A = tpu.sem_alloc : memref<!tpu.dma_semaphore, #tpu.memory_space<semaphore_mem>>
      %dma_start3A = arith.constant 0 : i32
      %dma_start3A_16 = tpu.memref_slice %arg2[%mul3A_4, %dma_start3A] : memref<3072x128xi32, #tpu.memory_space<hbm>> -> memref<96x128xi32, #tpu.memory_space<hbm>>
      %dma_start3A_17 = arith.constant 0 : i32
      %dma_start3A_18 = tpu.memref_slice %arg2[%mul3A_4, %dma_start3A_17] : memref<3072x128xi32, #tpu.memory_space<hbm>> -> memref<96x128xi32, #tpu.memory_space<hbm>>
      tpu.enqueue_dma source(%dma_start3A_18 : memref<96x128xi32, #tpu.memory_space<hbm>>) target(%arg8 : memref<96x128xi32, #tpu.memory_space<vmem>>) target_semaphore(%run_scoped3A : memref<!tpu.dma_semaphore, #tpu.memory_space<semaphore_mem>>)
      %dma_wait3A = arith.constant 0 : i32
      %dma_wait3A_19 = tpu.memref_slice %arg2[%mul3A_4, %dma_wait3A] : memref<3072x128xi32, #tpu.memory_space<hbm>> -> memref<96x128xi32, #tpu.memory_space<hbm>>
      %dma_wait3A_20 = arith.constant 0 : i32
      %dma_wait3A_21 = tpu.memref_slice %arg2[%mul3A_4, %dma_wait3A_20] : memref<3072x128xi32, #tpu.memory_space<hbm>> -> memref<96x128xi32, #tpu.memory_space<hbm>>
      tpu.wait_dma2 semaphore(%run_scoped3A : memref<!tpu.dma_semaphore, #tpu.memory_space<semaphore_mem>>) src(%dma_wait3A_21 : memref<96x128xi32, #tpu.memory_space<hbm>>) dst(%arg8 : memref<96x128xi32, #tpu.memory_space<vmem>>)
      tpu.yield
    }) : () -> ()
    %scan3A = arith.constant 0 : i32
    %scan3A_5 = arith.constant 12 : i32
    %scan3A_6 = arith.addi %scan3A, %scan3A_5 : i32
    %scan3A_7 = arith.constant 1 : i32
    scf.for %scan3A_16 = %scan3A to %scan3A_6 step %scan3A_7  : i32 {
      %mul3A_17 = arith.constant 2 : i32
      %mul3A_18 = arith.muli %scan3A_16, %mul3A_17 : i32
      %add3A_19 = arith.constant 0 : i32
      %add3A_20 = arith.addi %add3A_19, %mul3A_18 : i32
      %mul3A_21 = arith.constant 4 : i32
      %mul3A_22 = arith.muli %add3A_20, %mul3A_21 : i32
      %add3A_23 = arith.constant 0 : i32
      %add3A_24 = arith.addi %mul3A_22, %add3A_23 : i32
      %dma_start3A = arith.constant 0 : i32
      %dma_start3A_25 = arith.constant 0 : i32
      %dma_start3A_26 = tpu.memref_slice %arg9[%dma_start3A, %dma_start3A_25] : memref<512x64xf32, #tpu.memory_space<vmem>> -> memref<128x64xf32, #tpu.memory_space<vmem>>
      %dma_start3A_27 = arith.constant 0 : i32
      %dma_start3A_28 = tpu.memref_slice %arg8[%add3A_24, %dma_start3A_27] : memref<96x128xi32, #tpu.memory_space<vmem>> -> memref<1x128xi32, #tpu.memory_space<vmem>>
      %dma_start3A_29 = tpu.memref_squeeze %dma_start3A_28 : memref<1x128xi32, #tpu.memory_space<vmem>> -> memref<128xi32, #tpu.memory_space<vmem>>
      %dma_start3A_30 = arith.constant 0 : i32
      %dma_start3A_31 = arith.constant 0 : i32
      %dma_start3A_32 = tpu.memref_slice %arg4[%dma_start3A_30, %dma_start3A_31] : memref<7x64xf32, #tpu.memory_space<hbm>> -> memref<7x64xf32, #tpu.memory_space<hbm>>
      tpu.enqueue_indirect_dma source(%dma_start3A_32 : memref<7x64xf32, #tpu.memory_space<hbm>>) target(%dma_start3A_26 : memref<128x64xf32, #tpu.memory_space<vmem>>) offsets(%dma_start3A_29 : memref<128xi32, #tpu.memory_space<vmem>>) semaphore(%arg11 : memref<!tpu.dma_semaphore, #tpu.memory_space<semaphore_mem>>)
      %mul3A_33 = arith.constant 4 : i32
      %mul3A_34 = arith.muli %add3A_20, %mul3A_33 : i32
      %add3A_35 = arith.constant 1 : i32
      %add3A_36 = arith.addi %mul3A_34, %add3A_35 : i32
      %dma_start3A_37 = arith.constant 128 : i32
      %dma_start3A_38 = arith.constant 0 : i32
      %dma_start3A_39 = tpu.memref_slice %arg9[%dma_start3A_37, %dma_start3A_38] : memref<512x64xf32, #tpu.memory_space<vmem>> -> memref<128x64xf32, #tpu.memory_space<vmem>>
      %dma_start3A_40 = arith.constant 0 : i32
      %dma_start3A_41 = tpu.memref_slice %arg8[%add3A_36, %dma_start3A_40] : memref<96x128xi32, #tpu.memory_space<vmem>> -> memref<1x128xi32, #tpu.memory_space<vmem>>
      %dma_start3A_42 = tpu.memref_squeeze %dma_start3A_41 : memref<1x128xi32, #tpu.memory_space<vmem>> -> memref<128xi32, #tpu.memory_space<vmem>>
      %dma_start3A_43 = arith.constant 0 : i32
      %dma_start3A_44 = arith.constant 0 : i32
      %dma_start3A_45 = tpu.memref_slice %arg4[%dma_start3A_43, %dma_start3A_44] : memref<7x64xf32, #tpu.memory_space<hbm>> -> memref<7x64xf32, #tpu.memory_space<hbm>>
      tpu.enqueue_indirect_dma source(%dma_start3A_45 : memref<7x64xf32, #tpu.memory_space<hbm>>) target(%dma_start3A_39 : memref<128x64xf32, #tpu.memory_space<vmem>>) offsets(%dma_start3A_42 : memref<128xi32, #tpu.memory_space<vmem>>) semaphore(%arg11 : memref<!tpu.dma_semaphore, #tpu.memory_space<semaphore_mem>>)
      %mul3A_46 = arith.constant 4 : i32
      %mul3A_47 = arith.muli %add3A_20, %mul3A_46 : i32
      %add3A_48 = arith.constant 2 : i32
      %add3A_49 = arith.addi %mul3A_47, %add3A_48 : i32
      %dma_start3A_50 = arith.constant 256 : i32
      %dma_start3A_51 = arith.constant 0 : i32
      %dma_start3A_52 = tpu.memref_slice %arg9[%dma_start3A_50, %dma_start3A_51] : memref<512x64xf32, #tpu.memory_space<vmem>> -> memref<128x64xf32, #tpu.memory_space<vmem>>
      %dma_start3A_53 = arith.constant 0 : i32
      %dma_start3A_54 = tpu.memref_slice %arg8[%add3A_49, %dma_start3A_53] : memref<96x128xi32, #tpu.memory_space<vmem>> -> memref<1x128xi32, #tpu.memory_space<vmem>>
      %dma_start3A_55 = tpu.memref_squeeze %dma_start3A_54 : memref<1x128xi32, #tpu.memory_space<vmem>> -> memref<128xi32, #tpu.memory_space<vmem>>
      %dma_start3A_56 = arith.constant 0 : i32
      %dma_start3A_57 = arith.constant 0 : i32
      %dma_start3A_58 = tpu.memref_slice %arg4[%dma_start3A_56, %dma_start3A_57] : memref<7x64xf32, #tpu.memory_space<hbm>> -> memref<7x64xf32, #tpu.memory_space<hbm>>
      tpu.enqueue_indirect_dma source(%dma_start3A_58 : memref<7x64xf32, #tpu.memory_space<hbm>>) target(%dma_start3A_52 : memref<128x64xf32, #tpu.memory_space<vmem>>) offsets(%dma_start3A_55 : memref<128xi32, #tpu.memory_space<vmem>>) semaphore(%arg11 : memref<!tpu.dma_semaphore, #tpu.memory_space<semaphore_mem>>)
      %mul3A_59 = arith.constant 4 : i32
      %mul3A_60 = arith.muli %add3A_20, %mul3A_59 : i32
      %add3A_61 = arith.constant 3 : i32
      %add3A_62 = arith.addi %mul3A_60, %add3A_61 : i32
      %dma_start3A_63 = arith.constant 384 : i32
      %dma_start3A_64 = arith.constant 0 : i32
      %dma_start3A_65 = tpu.memref_slice %arg9[%dma_start3A_63, %dma_start3A_64] : memref<512x64xf32, #tpu.memory_space<vmem>> -> memref<128x64xf32, #tpu.memory_space<vmem>>
      %dma_start3A_66 = arith.constant 0 : i32
      %dma_start3A_67 = tpu.memref_slice %arg8[%add3A_62, %dma_start3A_66] : memref<96x128xi32, #tpu.memory_space<vmem>> -> memref<1x128xi32, #tpu.memory_space<vmem>>
      %dma_start3A_68 = tpu.memref_squeeze %dma_start3A_67 : memref<1x128xi32, #tpu.memory_space<vmem>> -> memref<128xi32, #tpu.memory_space<vmem>>
      %dma_start3A_69 = arith.constant 0 : i32
      %dma_start3A_70 = arith.constant 0 : i32
      %dma_start3A_71 = tpu.memref_slice %arg4[%dma_start3A_69, %dma_start3A_70] : memref<7x64xf32, #tpu.memory_space<hbm>> -> memref<7x64xf32, #tpu.memory_space<hbm>>
      tpu.enqueue_indirect_dma source(%dma_start3A_71 : memref<7x64xf32, #tpu.memory_space<hbm>>) target(%dma_start3A_65 : memref<128x64xf32, #tpu.memory_space<vmem>>) offsets(%dma_start3A_68 : memref<128xi32, #tpu.memory_space<vmem>>) semaphore(%arg11 : memref<!tpu.dma_semaphore, #tpu.memory_space<semaphore_mem>>)
      %add3A_72 = arith.constant 1 : i32
      %add3A_73 = arith.addi %add3A_20, %add3A_72 : i32
      %mul3A_74 = arith.constant 4 : i32
      %mul3A_75 = arith.muli %add3A_73, %mul3A_74 : i32
      %add3A_76 = arith.constant 0 : i32
      %add3A_77 = arith.addi %mul3A_75, %add3A_76 : i32
      %dma_start3A_78 = arith.constant 0 : i32
      %dma_start3A_79 = arith.constant 0 : i32
      %dma_start3A_80 = tpu.memref_slice %arg10[%dma_start3A_78, %dma_start3A_79] : memref<512x64xf32, #tpu.memory_space<vmem>> -> memref<128x64xf32, #tpu.memory_space<vmem>>
      %dma_start3A_81 = arith.constant 0 : i32
      %dma_start3A_82 = tpu.memref_slice %arg8[%add3A_77, %dma_start3A_81] : memref<96x128xi32, #tpu.memory_space<vmem>> -> memref<1x128xi32, #tpu.memory_space<vmem>>
      %dma_start3A_83 = tpu.memref_squeeze %dma_start3A_82 : memref<1x128xi32, #tpu.memory_space<vmem>> -> memref<128xi32, #tpu.memory_space<vmem>>
      %dma_start3A_84 = arith.constant 0 : i32
      %dma_start3A_85 = arith.constant 0 : i32
      %dma_start3A_86 = tpu.memref_slice %arg4[%dma_start3A_84, %dma_start3A_85] : memref<7x64xf32, #tpu.memory_space<hbm>> -> memref<7x64xf32, #tpu.memory_space<hbm>>
      tpu.enqueue_indirect_dma source(%dma_start3A_86 : memref<7x64xf32, #tpu.memory_space<hbm>>) target(%dma_start3A_80 : memref<128x64xf32, #tpu.memory_space<vmem>>) offsets(%dma_start3A_83 : memref<128xi32, #tpu.memory_space<vmem>>) semaphore(%arg12 : memref<!tpu.dma_semaphore, #tpu.memory_space<semaphore_mem>>)
      %mul3A_87 = arith.constant 4 : i32
      %mul3A_88 = arith.muli %add3A_73, %mul3A_87 : i32
      %add3A_89 = arith.constant 1 : i32
      %add3A_90 = arith.addi %mul3A_88, %add3A_89 : i32
      %dma_start3A_91 = arith.constant 128 : i32
      %dma_start3A_92 = arith.constant 0 : i32
      %dma_start3A_93 = tpu.memref_slice %arg10[%dma_start3A_91, %dma_start3A_92] : memref<512x64xf32, #tpu.memory_space<vmem>> -> memref<128x64xf32, #tpu.memory_space<vmem>>
      %dma_start3A_94 = arith.constant 0 : i32
      %dma_start3A_95 = tpu.memref_slice %arg8[%add3A_90, %dma_start3A_94] : memref<96x128xi32, #tpu.memory_space<vmem>> -> memref<1x128xi32, #tpu.memory_space<vmem>>
      %dma_start3A_96 = tpu.memref_squeeze %dma_start3A_95 : memref<1x128xi32, #tpu.memory_space<vmem>> -> memref<128xi32, #tpu.memory_space<vmem>>
      %dma_start3A_97 = arith.constant 0 : i32
      %dma_start3A_98 = arith.constant 0 : i32
      %dma_start3A_99 = tpu.memref_slice %arg4[%dma_start3A_97, %dma_start3A_98] : memref<7x64xf32, #tpu.memory_space<hbm>> -> memref<7x64xf32, #tpu.memory_space<hbm>>
      tpu.enqueue_indirect_dma source(%dma_start3A_99 : memref<7x64xf32, #tpu.memory_space<hbm>>) target(%dma_start3A_93 : memref<128x64xf32, #tpu.memory_space<vmem>>) offsets(%dma_start3A_96 : memref<128xi32, #tpu.memory_space<vmem>>) semaphore(%arg12 : memref<!tpu.dma_semaphore, #tpu.memory_space<semaphore_mem>>)
      %mul3A_100 = arith.constant 4 : i32
      %mul3A_101 = arith.muli %add3A_73, %mul3A_100 : i32
      %add3A_102 = arith.constant 2 : i32
      %add3A_103 = arith.addi %mul3A_101, %add3A_102 : i32
      %dma_start3A_104 = arith.constant 256 : i32
      %dma_start3A_105 = arith.constant 0 : i32
      %dma_start3A_106 = tpu.memref_slice %arg10[%dma_start3A_104, %dma_start3A_105] : memref<512x64xf32, #tpu.memory_space<vmem>> -> memref<128x64xf32, #tpu.memory_space<vmem>>
      %dma_start3A_107 = arith.constant 0 : i32
      %dma_start3A_108 = tpu.memref_slice %arg8[%add3A_103, %dma_start3A_107] : memref<96x128xi32, #tpu.memory_space<vmem>> -> memref<1x128xi32, #tpu.memory_space<vmem>>
      %dma_start3A_109 = tpu.memref_squeeze %dma_start3A_108 : memref<1x128xi32, #tpu.memory_space<vmem>> -> memref<128xi32, #tpu.memory_space<vmem>>
      %dma_start3A_110 = arith.constant 0 : i32
      %dma_start3A_111 = arith.constant 0 : i32
      %dma_start3A_112 = tpu.memref_slice %arg4[%dma_start3A_110, %dma_start3A_111] : memref<7x64xf32, #tpu.memory_space<hbm>> -> memref<7x64xf32, #tpu.memory_space<hbm>>
      tpu.enqueue_indirect_dma source(%dma_start3A_112 : memref<7x64xf32, #tpu.memory_space<hbm>>) target(%dma_start3A_106 : memref<128x64xf32, #tpu.memory_space<vmem>>) offsets(%dma_start3A_109 : memref<128xi32, #tpu.memory_space<vmem>>) semaphore(%arg12 : memref<!tpu.dma_semaphore, #tpu.memory_space<semaphore_mem>>)
      %mul3A_113 = arith.constant 4 : i32
      %mul3A_114 = arith.muli %add3A_73, %mul3A_113 : i32
      %add3A_115 = arith.constant 3 : i32
      %add3A_116 = arith.addi %mul3A_114, %add3A_115 : i32
      %dma_start3A_117 = arith.constant 384 : i32
      %dma_start3A_118 = arith.constant 0 : i32
      %dma_start3A_119 = tpu.memref_slice %arg10[%dma_start3A_117, %dma_start3A_118] : memref<512x64xf32, #tpu.memory_space<vmem>> -> memref<128x64xf32, #tpu.memory_space<vmem>>
      %dma_start3A_120 = arith.constant 0 : i32
      %dma_start3A_121 = tpu.memref_slice %arg8[%add3A_116, %dma_start3A_120] : memref<96x128xi32, #tpu.memory_space<vmem>> -> memref<1x128xi32, #tpu.memory_space<vmem>>
      %dma_start3A_122 = tpu.memref_squeeze %dma_start3A_121 : memref<1x128xi32, #tpu.memory_space<vmem>> -> memref<128xi32, #tpu.memory_space<vmem>>
      %dma_start3A_123 = arith.constant 0 : i32
      %dma_start3A_124 = arith.constant 0 : i32
      %dma_start3A_125 = tpu.memref_slice %arg4[%dma_start3A_123, %dma_start3A_124] : memref<7x64xf32, #tpu.memory_space<hbm>> -> memref<7x64xf32, #tpu.memory_space<hbm>>
      tpu.enqueue_indirect_dma source(%dma_start3A_125 : memref<7x64xf32, #tpu.memory_space<hbm>>) target(%dma_start3A_119 : memref<128x64xf32, #tpu.memory_space<vmem>>) offsets(%dma_start3A_122 : memref<128xi32, #tpu.memory_space<vmem>>) semaphore(%arg12 : memref<!tpu.dma_semaphore, #tpu.memory_space<semaphore_mem>>)
      %dma_wait3A = arith.constant 0 : i32
      %dma_wait3A_126 = arith.constant 0 : i32
      %dma_wait3A_127 = tpu.memref_slice %arg9[%dma_wait3A, %dma_wait3A_126] : memref<512x64xf32, #tpu.memory_space<vmem>> -> memref<128x64xf32, #tpu.memory_space<vmem>>
      %dma_wait3A_128 = arith.constant 0 : i32
      %dma_wait3A_129 = tpu.memref_slice %arg8[%add3A_24, %dma_wait3A_128] : memref<96x128xi32, #tpu.memory_space<vmem>> -> memref<1x128xi32, #tpu.memory_space<vmem>>
      %dma_wait3A_130 = tpu.memref_squeeze %dma_wait3A_129 : memref<1x128xi32, #tpu.memory_space<vmem>> -> memref<128xi32, #tpu.memory_space<vmem>>
      %dma_wait3A_131 = arith.constant 0 : i32
      %dma_wait3A_132 = arith.constant 0 : i32
      %dma_wait3A_133 = tpu.memref_slice %arg4[%dma_wait3A_131, %dma_wait3A_132] : memref<7x64xf32, #tpu.memory_space<hbm>> -> memref<7x64xf32, #tpu.memory_space<hbm>>
      tpu.wait_indirect_dma semaphore(%arg11 : memref<!tpu.dma_semaphore, #tpu.memory_space<semaphore_mem>>) src(%dma_wait3A_133 : memref<7x64xf32, #tpu.memory_space<hbm>>) dst(%dma_wait3A_127 : memref<128x64xf32, #tpu.memory_space<vmem>>)
      %dma_wait3A_134 = arith.constant 128 : i32
      %dma_wait3A_135 = arith.constant 0 : i32
      %dma_wait3A_136 = tpu.memref_slice %arg9[%dma_wait3A_134, %dma_wait3A_135] : memref<512x64xf32, #tpu.memory_space<vmem>> -> memref<128x64xf32, #tpu.memory_space<vmem>>
      %dma_wait3A_137 = arith.constant 0 : i32
      %dma_wait3A_138 = tpu.memref_slice %arg8[%add3A_36, %dma_wait3A_137] : memref<96x128xi32, #tpu.memory_space<vmem>> -> memref<1x128xi32, #tpu.memory_space<vmem>>
      %dma_wait3A_139 = tpu.memref_squeeze %dma_wait3A_138 : memref<1x128xi32, #tpu.memory_space<vmem>> -> memref<128xi32, #tpu.memory_space<vmem>>
      %dma_wait3A_140 = arith.constant 0 : i32
      %dma_wait3A_141 = arith.constant 0 : i32
      %dma_wait3A_142 = tpu.memref_slice %arg4[%dma_wait3A_140, %dma_wait3A_141] : memref<7x64xf32, #tpu.memory_space<hbm>> -> memref<7x64xf32, #tpu.memory_space<hbm>>
      tpu.wait_indirect_dma semaphore(%arg11 : memref<!tpu.dma_semaphore, #tpu.memory_space<semaphore_mem>>) src(%dma_wait3A_142 : memref<7x64xf32, #tpu.memory_space<hbm>>) dst(%dma_wait3A_136 : memref<128x64xf32, #tpu.memory_space<vmem>>)
      %dma_wait3A_143 = arith.constant 256 : i32
      %dma_wait3A_144 = arith.constant 0 : i32
      %dma_wait3A_145 = tpu.memref_slice %arg9[%dma_wait3A_143, %dma_wait3A_144] : memref<512x64xf32, #tpu.memory_space<vmem>> -> memref<128x64xf32, #tpu.memory_space<vmem>>
      %dma_wait3A_146 = arith.constant 0 : i32
      %dma_wait3A_147 = tpu.memref_slice %arg8[%add3A_49, %dma_wait3A_146] : memref<96x128xi32, #tpu.memory_space<vmem>> -> memref<1x128xi32, #tpu.memory_space<vmem>>
      %dma_wait3A_148 = tpu.memref_squeeze %dma_wait3A_147 : memref<1x128xi32, #tpu.memory_space<vmem>> -> memref<128xi32, #tpu.memory_space<vmem>>
      %dma_wait3A_149 = arith.constant 0 : i32
      %dma_wait3A_150 = arith.constant 0 : i32
      %dma_wait3A_151 = tpu.memref_slice %arg4[%dma_wait3A_149, %dma_wait3A_150] : memref<7x64xf32, #tpu.memory_space<hbm>> -> memref<7x64xf32, #tpu.memory_space<hbm>>
      tpu.wait_indirect_dma semaphore(%arg11 : memref<!tpu.dma_semaphore, #tpu.memory_space<semaphore_mem>>) src(%dma_wait3A_151 : memref<7x64xf32, #tpu.memory_space<hbm>>) dst(%dma_wait3A_145 : memref<128x64xf32, #tpu.memory_space<vmem>>)
      %dma_wait3A_152 = arith.constant 384 : i32
      %dma_wait3A_153 = arith.constant 0 : i32
      %dma_wait3A_154 = tpu.memref_slice %arg9[%dma_wait3A_152, %dma_wait3A_153] : memref<512x64xf32, #tpu.memory_space<vmem>> -> memref<128x64xf32, #tpu.memory_space<vmem>>
      %dma_wait3A_155 = arith.constant 0 : i32
      %dma_wait3A_156 = tpu.memref_slice %arg8[%add3A_62, %dma_wait3A_155] : memref<96x128xi32, #tpu.memory_space<vmem>> -> memref<1x128xi32, #tpu.memory_space<vmem>>
      %dma_wait3A_157 = tpu.memref_squeeze %dma_wait3A_156 : memref<1x128xi32, #tpu.memory_space<vmem>> -> memref<128xi32, #tpu.memory_space<vmem>>
      %dma_wait3A_158 = arith.constant 0 : i32
      %dma_wait3A_159 = arith.constant 0 : i32
      %dma_wait3A_160 = tpu.memref_slice %arg4[%dma_wait3A_158, %dma_wait3A_159] : memref<7x64xf32, #tpu.memory_space<hbm>> -> memref<7x64xf32, #tpu.memory_space<hbm>>
      tpu.wait_indirect_dma semaphore(%arg11 : memref<!tpu.dma_semaphore, #tpu.memory_space<semaphore_mem>>) src(%dma_wait3A_160 : memref<7x64xf32, #tpu.memory_space<hbm>>) dst(%dma_wait3A_154 : memref<128x64xf32, #tpu.memory_space<vmem>>)
      %mul3A_161 = arith.constant 512 : i32
      %mul3A_162 = arith.muli %add3A_20, %mul3A_161 : i32
      %add3A_163 = arith.addi %mul3A_2, %mul3A_162 : i32
      %dma_start3A_164 = arith.constant 0 : i32
      %dma_start3A_165 = tpu.memref_slice %arg6[%add3A_163, %dma_start3A_164] : memref<393216x64xf32, #tpu.memory_space<hbm>> -> memref<512x64xf32, #tpu.memory_space<hbm>>
      %dma_start3A_166 = arith.constant 0 : i32
      %dma_start3A_167 = tpu.memref_slice %arg6[%add3A_163, %dma_start3A_166] : memref<393216x64xf32, #tpu.memory_space<hbm>> -> memref<512x64xf32, #tpu.memory_space<hbm>>
      tpu.enqueue_dma source(%arg9 : memref<512x64xf32, #tpu.memory_space<vmem>>) target(%dma_start3A_167 : memref<512x64xf32, #tpu.memory_space<hbm>>) target_semaphore(%arg13 : memref<!tpu.dma_semaphore, #tpu.memory_space<semaphore_mem>>)
      %dma_wait3A_168 = arith.constant 0 : i32
      %dma_wait3A_169 = arith.constant 0 : i32
      %dma_wait3A_170 = tpu.memref_slice %arg10[%dma_wait3A_168, %dma_wait3A_169] : memref<512x64xf32, #tpu.memory_space<vmem>> -> memref<128x64xf32, #tpu.memory_space<vmem>>
      %dma_wait3A_171 = arith.constant 0 : i32
      %dma_wait3A_172 = tpu.memref_slice %arg8[%add3A_77, %dma_wait3A_171] : memref<96x128xi32, #tpu.memory_space<vmem>> -> memref<1x128xi32, #tpu.memory_space<vmem>>
      %dma_wait3A_173 = tpu.memref_squeeze %dma_wait3A_172 : memref<1x128xi32, #tpu.memory_space<vmem>> -> memref<128xi32, #tpu.memory_space<vmem>>
      %dma_wait3A_174 = arith.constant 0 : i32
      %dma_wait3A_175 = arith.constant 0 : i32
      %dma_wait3A_176 = tpu.memref_slice %arg4[%dma_wait3A_174, %dma_wait3A_175] : memref<7x64xf32, #tpu.memory_space<hbm>> -> memref<7x64xf32, #tpu.memory_space<hbm>>
      tpu.wait_indirect_dma semaphore(%arg12 : memref<!tpu.dma_semaphore, #tpu.memory_space<semaphore_mem>>) src(%dma_wait3A_176 : memref<7x64xf32, #tpu.memory_space<hbm>>) dst(%dma_wait3A_170 : memref<128x64xf32, #tpu.memory_space<vmem>>)
      %dma_wait3A_177 = arith.constant 128 : i32
      %dma_wait3A_178 = arith.constant 0 : i32
      %dma_wait3A_179 = tpu.memref_slice %arg10[%dma_wait3A_177, %dma_wait3A_178] : memref<512x64xf32, #tpu.memory_space<vmem>> -> memref<128x64xf32, #tpu.memory_space<vmem>>
      %dma_wait3A_180 = arith.constant 0 : i32
      %dma_wait3A_181 = tpu.memref_slice %arg8[%add3A_90, %dma_wait3A_180] : memref<96x128xi32, #tpu.memory_space<vmem>> -> memref<1x128xi32, #tpu.memory_space<vmem>>
      %dma_wait3A_182 = tpu.memref_squeeze %dma_wait3A_181 : memref<1x128xi32, #tpu.memory_space<vmem>> -> memref<128xi32, #tpu.memory_space<vmem>>
      %dma_wait3A_183 = arith.constant 0 : i32
      %dma_wait3A_184 = arith.constant 0 : i32
      %dma_wait3A_185 = tpu.memref_slice %arg4[%dma_wait3A_183, %dma_wait3A_184] : memref<7x64xf32, #tpu.memory_space<hbm>> -> memref<7x64xf32, #tpu.memory_space<hbm>>
      tpu.wait_indirect_dma semaphore(%arg12 : memref<!tpu.dma_semaphore, #tpu.memory_space<semaphore_mem>>) src(%dma_wait3A_185 : memref<7x64xf32, #tpu.memory_space<hbm>>) dst(%dma_wait3A_179 : memref<128x64xf32, #tpu.memory_space<vmem>>)
      %dma_wait3A_186 = arith.constant 256 : i32
      %dma_wait3A_187 = arith.constant 0 : i32
      %dma_wait3A_188 = tpu.memref_slice %arg10[%dma_wait3A_186, %dma_wait3A_187] : memref<512x64xf32, #tpu.memory_space<vmem>> -> memref<128x64xf32, #tpu.memory_space<vmem>>
      %dma_wait3A_189 = arith.constant 0 : i32
      %dma_wait3A_190 = tpu.memref_slice %arg8[%add3A_103, %dma_wait3A_189] : memref<96x128xi32, #tpu.memory_space<vmem>> -> memref<1x128xi32, #tpu.memory_space<vmem>>
      %dma_wait3A_191 = tpu.memref_squeeze %dma_wait3A_190 : memref<1x128xi32, #tpu.memory_space<vmem>> -> memref<128xi32, #tpu.memory_space<vmem>>
      %dma_wait3A_192 = arith.constant 0 : i32
      %dma_wait3A_193 = arith.constant 0 : i32
      %dma_wait3A_194 = tpu.memref_slice %arg4[%dma_wait3A_192, %dma_wait3A_193] : memref<7x64xf32, #tpu.memory_space<hbm>> -> memref<7x64xf32, #tpu.memory_space<hbm>>
      tpu.wait_indirect_dma semaphore(%arg12 : memref<!tpu.dma_semaphore, #tpu.memory_space<semaphore_mem>>) src(%dma_wait3A_194 : memref<7x64xf32, #tpu.memory_space<hbm>>) dst(%dma_wait3A_188 : memref<128x64xf32, #tpu.memory_space<vmem>>)
      %dma_wait3A_195 = arith.constant 384 : i32
      %dma_wait3A_196 = arith.constant 0 : i32
      %dma_wait3A_197 = tpu.memref_slice %arg10[%dma_wait3A_195, %dma_wait3A_196] : memref<512x64xf32, #tpu.memory_space<vmem>> -> memref<128x64xf32, #tpu.memory_space<vmem>>
      %dma_wait3A_198 = arith.constant 0 : i32
      %dma_wait3A_199 = tpu.memref_slice %arg8[%add3A_116, %dma_wait3A_198] : memref<96x128xi32, #tpu.memory_space<vmem>> -> memref<1x128xi32, #tpu.memory_space<vmem>>
      %dma_wait3A_200 = tpu.memref_squeeze %dma_wait3A_199 : memref<1x128xi32, #tpu.memory_space<vmem>> -> memref<128xi32, #tpu.memory_space<vmem>>
      %dma_wait3A_201 = arith.constant 0 : i32
      %dma_wait3A_202 = arith.constant 0 : i32
      %dma_wait3A_203 = tpu.memref_slice %arg4[%dma_wait3A_201, %dma_wait3A_202] : memref<7x64xf32, #tpu.memory_space<hbm>> -> memref<7x64xf32, #tpu.memory_space<hbm>>
      tpu.wait_indirect_dma semaphore(%arg12 : memref<!tpu.dma_semaphore, #tpu.memory_space<semaphore_mem>>) src(%dma_wait3A_203 : memref<7x64xf32, #tpu.memory_space<hbm>>) dst(%dma_wait3A_197 : memref<128x64xf32, #tpu.memory_space<vmem>>)
      %add3A_204 = arith.constant 1 : i32
      %add3A_205 = arith.addi %add3A_20, %add3A_204 : i32
      %mul3A_206 = arith.constant 512 : i32
      %mul3A_207 = arith.muli %add3A_205, %mul3A_206 : i32
      %add3A_208 = arith.addi %mul3A_2, %mul3A_207 : i32
      %dma_start3A_209 = arith.constant 0 : i32
      %dma_start3A_210 = tpu.memref_slice %arg6[%add3A_208, %dma_start3A_209] : memref<393216x64xf32, #tpu.memory_space<hbm>> -> memref<512x64xf32, #tpu.memory_space<hbm>>
      %dma_start3A_211 = arith.constant 0 : i32
      %dma_start3A_212 = tpu.memref_slice %arg6[%add3A_208, %dma_start3A_211] : memref<393216x64xf32, #tpu.memory_space<hbm>> -> memref<512x64xf32, #tpu.memory_space<hbm>>
      tpu.enqueue_dma source(%arg10 : memref<512x64xf32, #tpu.memory_space<vmem>>) target(%dma_start3A_212 : memref<512x64xf32, #tpu.memory_space<hbm>>) target_semaphore(%arg14 : memref<!tpu.dma_semaphore, #tpu.memory_space<semaphore_mem>>)
      %dma_wait3A_213 = arith.constant 0 : i32
      %dma_wait3A_214 = tpu.memref_slice %arg6[%add3A_163, %dma_wait3A_213] : memref<393216x64xf32, #tpu.memory_space<hbm>> -> memref<512x64xf32, #tpu.memory_space<hbm>>
      %dma_wait3A_215 = arith.constant 0 : i32
      %dma_wait3A_216 = tpu.memref_slice %arg6[%add3A_163, %dma_wait3A_215] : memref<393216x64xf32, #tpu.memory_space<hbm>> -> memref<512x64xf32, #tpu.memory_space<hbm>>
      tpu.wait_dma2 semaphore(%arg13 : memref<!tpu.dma_semaphore, #tpu.memory_space<semaphore_mem>>) src(%arg9 : memref<512x64xf32, #tpu.memory_space<vmem>>) dst(%dma_wait3A_216 : memref<512x64xf32, #tpu.memory_space<hbm>>)
      %dma_wait3A_217 = arith.constant 0 : i32
      %dma_wait3A_218 = tpu.memref_slice %arg6[%add3A_208, %dma_wait3A_217] : memref<393216x64xf32, #tpu.memory_space<hbm>> -> memref<512x64xf32, #tpu.memory_space<hbm>>
      %dma_wait3A_219 = arith.constant 0 : i32
      %dma_wait3A_220 = tpu.memref_slice %arg6[%add3A_208, %dma_wait3A_219] : memref<393216x64xf32, #tpu.memory_space<hbm>> -> memref<512x64xf32, #tpu.memory_space<hbm>>
      tpu.wait_dma2 semaphore(%arg14 : memref<!tpu.dma_semaphore, #tpu.memory_space<semaphore_mem>>) src(%arg10 : memref<512x64xf32, #tpu.memory_space<vmem>>) dst(%dma_wait3A_220 : memref<512x64xf32, #tpu.memory_space<hbm>>)
    }
    %scan3A_8 = arith.constant 12 : i32
    %mul3A_9 = arith.constant 96 : i32
    %mul3A_10 = arith.muli %add3A, %mul3A_9 : i32
    "tpu.region"() ({
      %run_scoped3A = tpu.sem_alloc : memref<!tpu.dma_semaphore, #tpu.memory_space<semaphore_mem>>
      %dma_start3A = arith.constant 0 : i32
      %dma_start3A_16 = tpu.memref_slice %arg3[%mul3A_10, %dma_start3A] : memref<3072x128xi32, #tpu.memory_space<hbm>> -> memref<96x128xi32, #tpu.memory_space<hbm>>
      %dma_start3A_17 = arith.constant 0 : i32
      %dma_start3A_18 = tpu.memref_slice %arg3[%mul3A_10, %dma_start3A_17] : memref<3072x128xi32, #tpu.memory_space<hbm>> -> memref<96x128xi32, #tpu.memory_space<hbm>>
      tpu.enqueue_dma source(%dma_start3A_18 : memref<96x128xi32, #tpu.memory_space<hbm>>) target(%arg8 : memref<96x128xi32, #tpu.memory_space<vmem>>) target_semaphore(%run_scoped3A : memref<!tpu.dma_semaphore, #tpu.memory_space<semaphore_mem>>)
      %dma_wait3A = arith.constant 0 : i32
      %dma_wait3A_19 = tpu.memref_slice %arg3[%mul3A_10, %dma_wait3A] : memref<3072x128xi32, #tpu.memory_space<hbm>> -> memref<96x128xi32, #tpu.memory_space<hbm>>
      %dma_wait3A_20 = arith.constant 0 : i32
      %dma_wait3A_21 = tpu.memref_slice %arg3[%mul3A_10, %dma_wait3A_20] : memref<3072x128xi32, #tpu.memory_space<hbm>> -> memref<96x128xi32, #tpu.memory_space<hbm>>
      tpu.wait_dma2 semaphore(%run_scoped3A : memref<!tpu.dma_semaphore, #tpu.memory_space<semaphore_mem>>) src(%dma_wait3A_21 : memref<96x128xi32, #tpu.memory_space<hbm>>) dst(%arg8 : memref<96x128xi32, #tpu.memory_space<vmem>>)
      tpu.yield
    }) : () -> ()
    %scan3A_11 = arith.constant 0 : i32
    %scan3A_12 = arith.constant 12 : i32
    %scan3A_13 = arith.addi %scan3A_11, %scan3A_12 : i32
    %scan3A_14 = arith.constant 1 : i32
    scf.for %scan3A_16 = %scan3A_11 to %scan3A_13 step %scan3A_14  : i32 {
      %mul3A_17 = arith.constant 2 : i32
      %mul3A_18 = arith.muli %scan3A_16, %mul3A_17 : i32
      %add3A_19 = arith.constant 0 : i32
      %add3A_20 = arith.addi %add3A_19, %mul3A_18 : i32
      %mul3A_21 = arith.constant 4 : i32
      %mul3A_22 = arith.muli %add3A_20, %mul3A_21 : i32
      %add3A_23 = arith.constant 0 : i32
      %add3A_24 = arith.addi %mul3A_22, %add3A_23 : i32
      %dma_start3A = arith.constant 0 : i32
      %dma_start3A_25 = arith.constant 0 : i32
      %dma_start3A_26 = tpu.memref_slice %arg9[%dma_start3A, %dma_start3A_25] : memref<512x64xf32, #tpu.memory_space<vmem>> -> memref<128x64xf32, #tpu.memory_space<vmem>>
      %dma_start3A_27 = arith.constant 0 : i32
      %dma_start3A_28 = tpu.memref_slice %arg8[%add3A_24, %dma_start3A_27] : memref<96x128xi32, #tpu.memory_space<vmem>> -> memref<1x128xi32, #tpu.memory_space<vmem>>
      %dma_start3A_29 = tpu.memref_squeeze %dma_start3A_28 : memref<1x128xi32, #tpu.memory_space<vmem>> -> memref<128xi32, #tpu.memory_space<vmem>>
      %dma_start3A_30 = arith.constant 0 : i32
      %dma_start3A_31 = arith.constant 0 : i32
      %dma_start3A_32 = tpu.memref_slice %arg5[%dma_start3A_30, %dma_start3A_31] : memref<96x64xf32, #tpu.memory_space<hbm>> -> memref<96x64xf32, #tpu.memory_space<hbm>>
      tpu.enqueue_indirect_dma source(%dma_start3A_32 : memref<96x64xf32, #tpu.memory_space<hbm>>) target(%dma_start3A_26 : memref<128x64xf32, #tpu.memory_space<vmem>>) offsets(%dma_start3A_29 : memref<128xi32, #tpu.memory_space<vmem>>) semaphore(%arg11 : memref<!tpu.dma_semaphore, #tpu.memory_space<semaphore_mem>>)
      %mul3A_33 = arith.constant 4 : i32
      %mul3A_34 = arith.muli %add3A_20, %mul3A_33 : i32
      %add3A_35 = arith.constant 1 : i32
      %add3A_36 = arith.addi %mul3A_34, %add3A_35 : i32
      %dma_start3A_37 = arith.constant 128 : i32
      %dma_start3A_38 = arith.constant 0 : i32
      %dma_start3A_39 = tpu.memref_slice %arg9[%dma_start3A_37, %dma_start3A_38] : memref<512x64xf32, #tpu.memory_space<vmem>> -> memref<128x64xf32, #tpu.memory_space<vmem>>
      %dma_start3A_40 = arith.constant 0 : i32
      %dma_start3A_41 = tpu.memref_slice %arg8[%add3A_36, %dma_start3A_40] : memref<96x128xi32, #tpu.memory_space<vmem>> -> memref<1x128xi32, #tpu.memory_space<vmem>>
      %dma_start3A_42 = tpu.memref_squeeze %dma_start3A_41 : memref<1x128xi32, #tpu.memory_space<vmem>> -> memref<128xi32, #tpu.memory_space<vmem>>
      %dma_start3A_43 = arith.constant 0 : i32
      %dma_start3A_44 = arith.constant 0 : i32
      %dma_start3A_45 = tpu.memref_slice %arg5[%dma_start3A_43, %dma_start3A_44] : memref<96x64xf32, #tpu.memory_space<hbm>> -> memref<96x64xf32, #tpu.memory_space<hbm>>
      tpu.enqueue_indirect_dma source(%dma_start3A_45 : memref<96x64xf32, #tpu.memory_space<hbm>>) target(%dma_start3A_39 : memref<128x64xf32, #tpu.memory_space<vmem>>) offsets(%dma_start3A_42 : memref<128xi32, #tpu.memory_space<vmem>>) semaphore(%arg11 : memref<!tpu.dma_semaphore, #tpu.memory_space<semaphore_mem>>)
      %mul3A_46 = arith.constant 4 : i32
      %mul3A_47 = arith.muli %add3A_20, %mul3A_46 : i32
      %add3A_48 = arith.constant 2 : i32
      %add3A_49 = arith.addi %mul3A_47, %add3A_48 : i32
      %dma_start3A_50 = arith.constant 256 : i32
      %dma_start3A_51 = arith.constant 0 : i32
      %dma_start3A_52 = tpu.memref_slice %arg9[%dma_start3A_50, %dma_start3A_51] : memref<512x64xf32, #tpu.memory_space<vmem>> -> memref<128x64xf32, #tpu.memory_space<vmem>>
      %dma_start3A_53 = arith.constant 0 : i32
      %dma_start3A_54 = tpu.memref_slice %arg8[%add3A_49, %dma_start3A_53] : memref<96x128xi32, #tpu.memory_space<vmem>> -> memref<1x128xi32, #tpu.memory_space<vmem>>
      %dma_start3A_55 = tpu.memref_squeeze %dma_start3A_54 : memref<1x128xi32, #tpu.memory_space<vmem>> -> memref<128xi32, #tpu.memory_space<vmem>>
      %dma_start3A_56 = arith.constant 0 : i32
      %dma_start3A_57 = arith.constant 0 : i32
      %dma_start3A_58 = tpu.memref_slice %arg5[%dma_start3A_56, %dma_start3A_57] : memref<96x64xf32, #tpu.memory_space<hbm>> -> memref<96x64xf32, #tpu.memory_space<hbm>>
      tpu.enqueue_indirect_dma source(%dma_start3A_58 : memref<96x64xf32, #tpu.memory_space<hbm>>) target(%dma_start3A_52 : memref<128x64xf32, #tpu.memory_space<vmem>>) offsets(%dma_start3A_55 : memref<128xi32, #tpu.memory_space<vmem>>) semaphore(%arg11 : memref<!tpu.dma_semaphore, #tpu.memory_space<semaphore_mem>>)
      %mul3A_59 = arith.constant 4 : i32
      %mul3A_60 = arith.muli %add3A_20, %mul3A_59 : i32
      %add3A_61 = arith.constant 3 : i32
      %add3A_62 = arith.addi %mul3A_60, %add3A_61 : i32
      %dma_start3A_63 = arith.constant 384 : i32
      %dma_start3A_64 = arith.constant 0 : i32
      %dma_start3A_65 = tpu.memref_slice %arg9[%dma_start3A_63, %dma_start3A_64] : memref<512x64xf32, #tpu.memory_space<vmem>> -> memref<128x64xf32, #tpu.memory_space<vmem>>
      %dma_start3A_66 = arith.constant 0 : i32
      %dma_start3A_67 = tpu.memref_slice %arg8[%add3A_62, %dma_start3A_66] : memref<96x128xi32, #tpu.memory_space<vmem>> -> memref<1x128xi32, #tpu.memory_space<vmem>>
      %dma_start3A_68 = tpu.memref_squeeze %dma_start3A_67 : memref<1x128xi32, #tpu.memory_space<vmem>> -> memref<128xi32, #tpu.memory_space<vmem>>
      %dma_start3A_69 = arith.constant 0 : i32
      %dma_start3A_70 = arith.constant 0 : i32
      %dma_start3A_71 = tpu.memref_slice %arg5[%dma_start3A_69, %dma_start3A_70] : memref<96x64xf32, #tpu.memory_space<hbm>> -> memref<96x64xf32, #tpu.memory_space<hbm>>
      tpu.enqueue_indirect_dma source(%dma_start3A_71 : memref<96x64xf32, #tpu.memory_space<hbm>>) target(%dma_start3A_65 : memref<128x64xf32, #tpu.memory_space<vmem>>) offsets(%dma_start3A_68 : memref<128xi32, #tpu.memory_space<vmem>>) semaphore(%arg11 : memref<!tpu.dma_semaphore, #tpu.memory_space<semaphore_mem>>)
      %add3A_72 = arith.constant 1 : i32
      %add3A_73 = arith.addi %add3A_20, %add3A_72 : i32
      %mul3A_74 = arith.constant 4 : i32
      %mul3A_75 = arith.muli %add3A_73, %mul3A_74 : i32
      %add3A_76 = arith.constant 0 : i32
      %add3A_77 = arith.addi %mul3A_75, %add3A_76 : i32
      %dma_start3A_78 = arith.constant 0 : i32
      %dma_start3A_79 = arith.constant 0 : i32
      %dma_start3A_80 = tpu.memref_slice %arg10[%dma_start3A_78, %dma_start3A_79] : memref<512x64xf32, #tpu.memory_space<vmem>> -> memref<128x64xf32, #tpu.memory_space<vmem>>
      %dma_start3A_81 = arith.constant 0 : i32
      %dma_start3A_82 = tpu.memref_slice %arg8[%add3A_77, %dma_start3A_81] : memref<96x128xi32, #tpu.memory_space<vmem>> -> memref<1x128xi32, #tpu.memory_space<vmem>>
      %dma_start3A_83 = tpu.memref_squeeze %dma_start3A_82 : memref<1x128xi32, #tpu.memory_space<vmem>> -> memref<128xi32, #tpu.memory_space<vmem>>
      %dma_start3A_84 = arith.constant 0 : i32
      %dma_start3A_85 = arith.constant 0 : i32
      %dma_start3A_86 = tpu.memref_slice %arg5[%dma_start3A_84, %dma_start3A_85] : memref<96x64xf32, #tpu.memory_space<hbm>> -> memref<96x64xf32, #tpu.memory_space<hbm>>
      tpu.enqueue_indirect_dma source(%dma_start3A_86 : memref<96x64xf32, #tpu.memory_space<hbm>>) target(%dma_start3A_80 : memref<128x64xf32, #tpu.memory_space<vmem>>) offsets(%dma_start3A_83 : memref<128xi32, #tpu.memory_space<vmem>>) semaphore(%arg12 : memref<!tpu.dma_semaphore, #tpu.memory_space<semaphore_mem>>)
      %mul3A_87 = arith.constant 4 : i32
      %mul3A_88 = arith.muli %add3A_73, %mul3A_87 : i32
      %add3A_89 = arith.constant 1 : i32
      %add3A_90 = arith.addi %mul3A_88, %add3A_89 : i32
      %dma_start3A_91 = arith.constant 128 : i32
      %dma_start3A_92 = arith.constant 0 : i32
      %dma_start3A_93 = tpu.memref_slice %arg10[%dma_start3A_91, %dma_start3A_92] : memref<512x64xf32, #tpu.memory_space<vmem>> -> memref<128x64xf32, #tpu.memory_space<vmem>>
      %dma_start3A_94 = arith.constant 0 : i32
      %dma_start3A_95 = tpu.memref_slice %arg8[%add3A_90, %dma_start3A_94] : memref<96x128xi32, #tpu.memory_space<vmem>> -> memref<1x128xi32, #tpu.memory_space<vmem>>
      %dma_start3A_96 = tpu.memref_squeeze %dma_start3A_95 : memref<1x128xi32, #tpu.memory_space<vmem>> -> memref<128xi32, #tpu.memory_space<vmem>>
      %dma_start3A_97 = arith.constant 0 : i32
      %dma_start3A_98 = arith.constant 0 : i32
      %dma_start3A_99 = tpu.memref_slice %arg5[%dma_start3A_97, %dma_start3A_98] : memref<96x64xf32, #tpu.memory_space<hbm>> -> memref<96x64xf32, #tpu.memory_space<hbm>>
      tpu.enqueue_indirect_dma source(%dma_start3A_99 : memref<96x64xf32, #tpu.memory_space<hbm>>) target(%dma_start3A_93 : memref<128x64xf32, #tpu.memory_space<vmem>>) offsets(%dma_start3A_96 : memref<128xi32, #tpu.memory_space<vmem>>) semaphore(%arg12 : memref<!tpu.dma_semaphore, #tpu.memory_space<semaphore_mem>>)
      %mul3A_100 = arith.constant 4 : i32
      %mul3A_101 = arith.muli %add3A_73, %mul3A_100 : i32
      %add3A_102 = arith.constant 2 : i32
      %add3A_103 = arith.addi %mul3A_101, %add3A_102 : i32
      %dma_start3A_104 = arith.constant 256 : i32
      %dma_start3A_105 = arith.constant 0 : i32
      %dma_start3A_106 = tpu.memref_slice %arg10[%dma_start3A_104, %dma_start3A_105] : memref<512x64xf32, #tpu.memory_space<vmem>> -> memref<128x64xf32, #tpu.memory_space<vmem>>
      %dma_start3A_107 = arith.constant 0 : i32
      %dma_start3A_108 = tpu.memref_slice %arg8[%add3A_103, %dma_start3A_107] : memref<96x128xi32, #tpu.memory_space<vmem>> -> memref<1x128xi32, #tpu.memory_space<vmem>>
      %dma_start3A_109 = tpu.memref_squeeze %dma_start3A_108 : memref<1x128xi32, #tpu.memory_space<vmem>> -> memref<128xi32, #tpu.memory_space<vmem>>
      %dma_start3A_110 = arith.constant 0 : i32
      %dma_start3A_111 = arith.constant 0 : i32
      %dma_start3A_112 = tpu.memref_slice %arg5[%dma_start3A_110, %dma_start3A_111] : memref<96x64xf32, #tpu.memory_space<hbm>> -> memref<96x64xf32, #tpu.memory_space<hbm>>
      tpu.enqueue_indirect_dma source(%dma_start3A_112 : memref<96x64xf32, #tpu.memory_space<hbm>>) target(%dma_start3A_106 : memref<128x64xf32, #tpu.memory_space<vmem>>) offsets(%dma_start3A_109 : memref<128xi32, #tpu.memory_space<vmem>>) semaphore(%arg12 : memref<!tpu.dma_semaphore, #tpu.memory_space<semaphore_mem>>)
      %mul3A_113 = arith.constant 4 : i32
      %mul3A_114 = arith.muli %add3A_73, %mul3A_113 : i32
      %add3A_115 = arith.constant 3 : i32
      %add3A_116 = arith.addi %mul3A_114, %add3A_115 : i32
      %dma_start3A_117 = arith.constant 384 : i32
      %dma_start3A_118 = arith.constant 0 : i32
      %dma_start3A_119 = tpu.memref_slice %arg10[%dma_start3A_117, %dma_start3A_118] : memref<512x64xf32, #tpu.memory_space<vmem>> -> memref<128x64xf32, #tpu.memory_space<vmem>>
      %dma_start3A_120 = arith.constant 0 : i32
      %dma_start3A_121 = tpu.memref_slice %arg8[%add3A_116, %dma_start3A_120] : memref<96x128xi32, #tpu.memory_space<vmem>> -> memref<1x128xi32, #tpu.memory_space<vmem>>
      %dma_start3A_122 = tpu.memref_squeeze %dma_start3A_121 : memref<1x128xi32, #tpu.memory_space<vmem>> -> memref<128xi32, #tpu.memory_space<vmem>>
      %dma_start3A_123 = arith.constant 0 : i32
      %dma_start3A_124 = arith.constant 0 : i32
      %dma_start3A_125 = tpu.memref_slice %arg5[%dma_start3A_123, %dma_start3A_124] : memref<96x64xf32, #tpu.memory_space<hbm>> -> memref<96x64xf32, #tpu.memory_space<hbm>>
      tpu.enqueue_indirect_dma source(%dma_start3A_125 : memref<96x64xf32, #tpu.memory_space<hbm>>) target(%dma_start3A_119 : memref<128x64xf32, #tpu.memory_space<vmem>>) offsets(%dma_start3A_122 : memref<128xi32, #tpu.memory_space<vmem>>) semaphore(%arg12 : memref<!tpu.dma_semaphore, #tpu.memory_space<semaphore_mem>>)
      %dma_wait3A = arith.constant 0 : i32
      %dma_wait3A_126 = arith.constant 0 : i32
      %dma_wait3A_127 = tpu.memref_slice %arg9[%dma_wait3A, %dma_wait3A_126] : memref<512x64xf32, #tpu.memory_space<vmem>> -> memref<128x64xf32, #tpu.memory_space<vmem>>
      %dma_wait3A_128 = arith.constant 0 : i32
      %dma_wait3A_129 = tpu.memref_slice %arg8[%add3A_24, %dma_wait3A_128] : memref<96x128xi32, #tpu.memory_space<vmem>> -> memref<1x128xi32, #tpu.memory_space<vmem>>
      %dma_wait3A_130 = tpu.memref_squeeze %dma_wait3A_129 : memref<1x128xi32, #tpu.memory_space<vmem>> -> memref<128xi32, #tpu.memory_space<vmem>>
      %dma_wait3A_131 = arith.constant 0 : i32
      %dma_wait3A_132 = arith.constant 0 : i32
      %dma_wait3A_133 = tpu.memref_slice %arg5[%dma_wait3A_131, %dma_wait3A_132] : memref<96x64xf32, #tpu.memory_space<hbm>> -> memref<96x64xf32, #tpu.memory_space<hbm>>
      tpu.wait_indirect_dma semaphore(%arg11 : memref<!tpu.dma_semaphore, #tpu.memory_space<semaphore_mem>>) src(%dma_wait3A_133 : memref<96x64xf32, #tpu.memory_space<hbm>>) dst(%dma_wait3A_127 : memref<128x64xf32, #tpu.memory_space<vmem>>)
      %dma_wait3A_134 = arith.constant 128 : i32
      %dma_wait3A_135 = arith.constant 0 : i32
      %dma_wait3A_136 = tpu.memref_slice %arg9[%dma_wait3A_134, %dma_wait3A_135] : memref<512x64xf32, #tpu.memory_space<vmem>> -> memref<128x64xf32, #tpu.memory_space<vmem>>
      %dma_wait3A_137 = arith.constant 0 : i32
      %dma_wait3A_138 = tpu.memref_slice %arg8[%add3A_36, %dma_wait3A_137] : memref<96x128xi32, #tpu.memory_space<vmem>> -> memref<1x128xi32, #tpu.memory_space<vmem>>
      %dma_wait3A_139 = tpu.memref_squeeze %dma_wait3A_138 : memref<1x128xi32, #tpu.memory_space<vmem>> -> memref<128xi32, #tpu.memory_space<vmem>>
      %dma_wait3A_140 = arith.constant 0 : i32
      %dma_wait3A_141 = arith.constant 0 : i32
      %dma_wait3A_142 = tpu.memref_slice %arg5[%dma_wait3A_140, %dma_wait3A_141] : memref<96x64xf32, #tpu.memory_space<hbm>> -> memref<96x64xf32, #tpu.memory_space<hbm>>
      tpu.wait_indirect_dma semaphore(%arg11 : memref<!tpu.dma_semaphore, #tpu.memory_space<semaphore_mem>>) src(%dma_wait3A_142 : memref<96x64xf32, #tpu.memory_space<hbm>>) dst(%dma_wait3A_136 : memref<128x64xf32, #tpu.memory_space<vmem>>)
      %dma_wait3A_143 = arith.constant 256 : i32
      %dma_wait3A_144 = arith.constant 0 : i32
      %dma_wait3A_145 = tpu.memref_slice %arg9[%dma_wait3A_143, %dma_wait3A_144] : memref<512x64xf32, #tpu.memory_space<vmem>> -> memref<128x64xf32, #tpu.memory_space<vmem>>
      %dma_wait3A_146 = arith.constant 0 : i32
      %dma_wait3A_147 = tpu.memref_slice %arg8[%add3A_49, %dma_wait3A_146] : memref<96x128xi32, #tpu.memory_space<vmem>> -> memref<1x128xi32, #tpu.memory_space<vmem>>
      %dma_wait3A_148 = tpu.memref_squeeze %dma_wait3A_147 : memref<1x128xi32, #tpu.memory_space<vmem>> -> memref<128xi32, #tpu.memory_space<vmem>>
      %dma_wait3A_149 = arith.constant 0 : i32
      %dma_wait3A_150 = arith.constant 0 : i32
      %dma_wait3A_151 = tpu.memref_slice %arg5[%dma_wait3A_149, %dma_wait3A_150] : memref<96x64xf32, #tpu.memory_space<hbm>> -> memref<96x64xf32, #tpu.memory_space<hbm>>
      tpu.wait_indirect_dma semaphore(%arg11 : memref<!tpu.dma_semaphore, #tpu.memory_space<semaphore_mem>>) src(%dma_wait3A_151 : memref<96x64xf32, #tpu.memory_space<hbm>>) dst(%dma_wait3A_145 : memref<128x64xf32, #tpu.memory_space<vmem>>)
      %dma_wait3A_152 = arith.constant 384 : i32
      %dma_wait3A_153 = arith.constant 0 : i32
      %dma_wait3A_154 = tpu.memref_slice %arg9[%dma_wait3A_152, %dma_wait3A_153] : memref<512x64xf32, #tpu.memory_space<vmem>> -> memref<128x64xf32, #tpu.memory_space<vmem>>
      %dma_wait3A_155 = arith.constant 0 : i32
      %dma_wait3A_156 = tpu.memref_slice %arg8[%add3A_62, %dma_wait3A_155] : memref<96x128xi32, #tpu.memory_space<vmem>> -> memref<1x128xi32, #tpu.memory_space<vmem>>
      %dma_wait3A_157 = tpu.memref_squeeze %dma_wait3A_156 : memref<1x128xi32, #tpu.memory_space<vmem>> -> memref<128xi32, #tpu.memory_space<vmem>>
      %dma_wait3A_158 = arith.constant 0 : i32
      %dma_wait3A_159 = arith.constant 0 : i32
      %dma_wait3A_160 = tpu.memref_slice %arg5[%dma_wait3A_158, %dma_wait3A_159] : memref<96x64xf32, #tpu.memory_space<hbm>> -> memref<96x64xf32, #tpu.memory_space<hbm>>
      tpu.wait_indirect_dma semaphore(%arg11 : memref<!tpu.dma_semaphore, #tpu.memory_space<semaphore_mem>>) src(%dma_wait3A_160 : memref<96x64xf32, #tpu.memory_space<hbm>>) dst(%dma_wait3A_154 : memref<128x64xf32, #tpu.memory_space<vmem>>)
      %mul3A_161 = arith.constant 512 : i32
      %mul3A_162 = arith.muli %add3A_20, %mul3A_161 : i32
      %add3A_163 = arith.addi %mul3A_2, %mul3A_162 : i32
      %dma_start3A_164 = arith.constant 0 : i32
      %dma_start3A_165 = tpu.memref_slice %arg7[%add3A_163, %dma_start3A_164] : memref<393216x64xf32, #tpu.memory_space<hbm>> -> memref<512x64xf32, #tpu.memory_space<hbm>>
      %dma_start3A_166 = arith.constant 0 : i32
      %dma_start3A_167 = tpu.memref_slice %arg7[%add3A_163, %dma_start3A_166] : memref<393216x64xf32, #tpu.memory_space<hbm>> -> memref<512x64xf32, #tpu.memory_space<hbm>>
      tpu.enqueue_dma source(%arg9 : memref<512x64xf32, #tpu.memory_space<vmem>>) target(%dma_start3A_167 : memref<512x64xf32, #tpu.memory_space<hbm>>) target_semaphore(%arg13 : memref<!tpu.dma_semaphore, #tpu.memory_space<semaphore_mem>>)
      %dma_wait3A_168 = arith.constant 0 : i32
      %dma_wait3A_169 = arith.constant 0 : i32
      %dma_wait3A_170 = tpu.memref_slice %arg10[%dma_wait3A_168, %dma_wait3A_169] : memref<512x64xf32, #tpu.memory_space<vmem>> -> memref<128x64xf32, #tpu.memory_space<vmem>>
      %dma_wait3A_171 = arith.constant 0 : i32
      %dma_wait3A_172 = tpu.memref_slice %arg8[%add3A_77, %dma_wait3A_171] : memref<96x128xi32, #tpu.memory_space<vmem>> -> memref<1x128xi32, #tpu.memory_space<vmem>>
      %dma_wait3A_173 = tpu.memref_squeeze %dma_wait3A_172 : memref<1x128xi32, #tpu.memory_space<vmem>> -> memref<128xi32, #tpu.memory_space<vmem>>
      %dma_wait3A_174 = arith.constant 0 : i32
      %dma_wait3A_175 = arith.constant 0 : i32
      %dma_wait3A_176 = tpu.memref_slice %arg5[%dma_wait3A_174, %dma_wait3A_175] : memref<96x64xf32, #tpu.memory_space<hbm>> -> memref<96x64xf32, #tpu.memory_space<hbm>>
      tpu.wait_indirect_dma semaphore(%arg12 : memref<!tpu.dma_semaphore, #tpu.memory_space<semaphore_mem>>) src(%dma_wait3A_176 : memref<96x64xf32, #tpu.memory_space<hbm>>) dst(%dma_wait3A_170 : memref<128x64xf32, #tpu.memory_space<vmem>>)
      %dma_wait3A_177 = arith.constant 128 : i32
      %dma_wait3A_178 = arith.constant 0 : i32
      %dma_wait3A_179 = tpu.memref_slice %arg10[%dma_wait3A_177, %dma_wait3A_178] : memref<512x64xf32, #tpu.memory_space<vmem>> -> memref<128x64xf32, #tpu.memory_space<vmem>>
      %dma_wait3A_180 = arith.constant 0 : i32
      %dma_wait3A_181 = tpu.memref_slice %arg8[%add3A_90, %dma_wait3A_180] : memref<96x128xi32, #tpu.memory_space<vmem>> -> memref<1x128xi32, #tpu.memory_space<vmem>>
      %dma_wait3A_182 = tpu.memref_squeeze %dma_wait3A_181 : memref<1x128xi32, #tpu.memory_space<vmem>> -> memref<128xi32, #tpu.memory_space<vmem>>
      %dma_wait3A_183 = arith.constant 0 : i32
      %dma_wait3A_184 = arith.constant 0 : i32
      %dma_wait3A_185 = tpu.memref_slice %arg5[%dma_wait3A_183, %dma_wait3A_184] : memref<96x64xf32, #tpu.memory_space<hbm>> -> memref<96x64xf32, #tpu.memory_space<hbm>>
      tpu.wait_indirect_dma semaphore(%arg12 : memref<!tpu.dma_semaphore, #tpu.memory_space<semaphore_mem>>) src(%dma_wait3A_185 : memref<96x64xf32, #tpu.memory_space<hbm>>) dst(%dma_wait3A_179 : memref<128x64xf32, #tpu.memory_space<vmem>>)
      %dma_wait3A_186 = arith.constant 256 : i32
      %dma_wait3A_187 = arith.constant 0 : i32
      %dma_wait3A_188 = tpu.memref_slice %arg10[%dma_wait3A_186, %dma_wait3A_187] : memref<512x64xf32, #tpu.memory_space<vmem>> -> memref<128x64xf32, #tpu.memory_space<vmem>>
      %dma_wait3A_189 = arith.constant 0 : i32
      %dma_wait3A_190 = tpu.memref_slice %arg8[%add3A_103, %dma_wait3A_189] : memref<96x128xi32, #tpu.memory_space<vmem>> -> memref<1x128xi32, #tpu.memory_space<vmem>>
      %dma_wait3A_191 = tpu.memref_squeeze %dma_wait3A_190 : memref<1x128xi32, #tpu.memory_space<vmem>> -> memref<128xi32, #tpu.memory_space<vmem>>
      %dma_wait3A_192 = arith.constant 0 : i32
      %dma_wait3A_193 = arith.constant 0 : i32
      %dma_wait3A_194 = tpu.memref_slice %arg5[%dma_wait3A_192, %dma_wait3A_193] : memref<96x64xf32, #tpu.memory_space<hbm>> -> memref<96x64xf32, #tpu.memory_space<hbm>>
      tpu.wait_indirect_dma semaphore(%arg12 : memref<!tpu.dma_semaphore, #tpu.memory_space<semaphore_mem>>) src(%dma_wait3A_194 : memref<96x64xf32, #tpu.memory_space<hbm>>) dst(%dma_wait3A_188 : memref<128x64xf32, #tpu.memory_space<vmem>>)
      %dma_wait3A_195 = arith.constant 384 : i32
      %dma_wait3A_196 = arith.constant 0 : i32
      %dma_wait3A_197 = tpu.memref_slice %arg10[%dma_wait3A_195, %dma_wait3A_196] : memref<512x64xf32, #tpu.memory_space<vmem>> -> memref<128x64xf32, #tpu.memory_space<vmem>>
      %dma_wait3A_198 = arith.constant 0 : i32
      %dma_wait3A_199 = tpu.memref_slice %arg8[%add3A_116, %dma_wait3A_198] : memref<96x128xi32, #tpu.memory_space<vmem>> -> memref<1x128xi32, #tpu.memory_space<vmem>>
      %dma_wait3A_200 = tpu.memref_squeeze %dma_wait3A_199 : memref<1x128xi32, #tpu.memory_space<vmem>> -> memref<128xi32, #tpu.memory_space<vmem>>
      %dma_wait3A_201 = arith.constant 0 : i32
      %dma_wait3A_202 = arith.constant 0 : i32
      %dma_wait3A_203 = tpu.memref_slice %arg5[%dma_wait3A_201, %dma_wait3A_202] : memref<96x64xf32, #tpu.memory_space<hbm>> -> memref<96x64xf32, #tpu.memory_space<hbm>>
      tpu.wait_indirect_dma semaphore(%arg12 : memref<!tpu.dma_semaphore, #tpu.memory_space<semaphore_mem>>) src(%dma_wait3A_203 : memref<96x64xf32, #tpu.memory_space<hbm>>) dst(%dma_wait3A_197 : memref<128x64xf32, #tpu.memory_space<vmem>>)
      %add3A_204 = arith.constant 1 : i32
      %add3A_205 = arith.addi %add3A_20, %add3A_204 : i32
      %mul3A_206 = arith.constant 512 : i32
      %mul3A_207 = arith.muli %add3A_205, %mul3A_206 : i32
      %add3A_208 = arith.addi %mul3A_2, %mul3A_207 : i32
      %dma_start3A_209 = arith.constant 0 : i32
      %dma_start3A_210 = tpu.memref_slice %arg7[%add3A_208, %dma_start3A_209] : memref<393216x64xf32, #tpu.memory_space<hbm>> -> memref<512x64xf32, #tpu.memory_space<hbm>>
      %dma_start3A_211 = arith.constant 0 : i32
      %dma_start3A_212 = tpu.memref_slice %arg7[%add3A_208, %dma_start3A_211] : memref<393216x64xf32, #tpu.memory_space<hbm>> -> memref<512x64xf32, #tpu.memory_space<hbm>>
      tpu.enqueue_dma source(%arg10 : memref<512x64xf32, #tpu.memory_space<vmem>>) target(%dma_start3A_212 : memref<512x64xf32, #tpu.memory_space<hbm>>) target_semaphore(%arg14 : memref<!tpu.dma_semaphore, #tpu.memory_space<semaphore_mem>>)
      %dma_wait3A_213 = arith.constant 0 : i32
      %dma_wait3A_214 = tpu.memref_slice %arg7[%add3A_163, %dma_wait3A_213] : memref<393216x64xf32, #tpu.memory_space<hbm>> -> memref<512x64xf32, #tpu.memory_space<hbm>>
      %dma_wait3A_215 = arith.constant 0 : i32
      %dma_wait3A_216 = tpu.memref_slice %arg7[%add3A_163, %dma_wait3A_215] : memref<393216x64xf32, #tpu.memory_space<hbm>> -> memref<512x64xf32, #tpu.memory_space<hbm>>
      tpu.wait_dma2 semaphore(%arg13 : memref<!tpu.dma_semaphore, #tpu.memory_space<semaphore_mem>>) src(%arg9 : memref<512x64xf32, #tpu.memory_space<vmem>>) dst(%dma_wait3A_216 : memref<512x64xf32, #tpu.memory_space<hbm>>)
      %dma_wait3A_217 = arith.constant 0 : i32
      %dma_wait3A_218 = tpu.memref_slice %arg7[%add3A_208, %dma_wait3A_217] : memref<393216x64xf32, #tpu.memory_space<hbm>> -> memref<512x64xf32, #tpu.memory_space<hbm>>
      %dma_wait3A_219 = arith.constant 0 : i32
      %dma_wait3A_220 = tpu.memref_slice %arg7[%add3A_208, %dma_wait3A_219] : memref<393216x64xf32, #tpu.memory_space<hbm>> -> memref<512x64xf32, #tpu.memory_space<hbm>>
      tpu.wait_dma2 semaphore(%arg14 : memref<!tpu.dma_semaphore, #tpu.memory_space<semaphore_mem>>) src(%arg10 : memref<512x64xf32, #tpu.memory_space<vmem>>) dst(%dma_wait3A_220 : memref<512x64xf32, #tpu.memory_space<hbm>>)
    }
    %scan3A_15 = arith.constant 12 : i32
    return
  }
}

</mosaic_0001>

<sc_bundles>
// kernel: kernel.3.cloned.1.call-start
scs
__scs_entry_jumppad:
0x0: {  	(pc) =	sbr.rel $0x88, $3  }
0x1: {  	(tag) =	ssettag $0x0;
	lr =	simm.s32 $0x1  }
0x2: {  	[smem:$0x3F9C] =	sst lr;
	_ =	strace $0xD0000000  }
0x3: {  	_ = 	snop  }
0x4: {  	_ = 	snop  }
0x5: {  	_ = 	snop  }
0x6: {  	_ = 	snop  }
0x7: {  	_ = 	snop  }
__scs_overlays_trampoline_lowered:
0x8: {  	[smem:$0x3FAB] =	sst s0  }
0x9: {  	[smem:$0x3FAC] =	sst s1  }
0xa: {  	[smem:$0x3FAD] =	sst s2  }
0xb: {  	[smem:$0x3FAE] =	sst s3  }
0xc: {  	[smem:$0x3FAF] =	sst s4  }
0xd: {  	[smem:$0x3FB0] =	sst s5  }
0xe: {  	[smem:$0x3FB1] =	sst s6  }
0xf: {  	[smem:$0x3FB2] =	sst s7  }
0x10: {  	[smem:$0x3FB3] =	sst s8  }
0x11: {  	[smem:$0x3FB4] =	sst s9;
	s0 =	simm.s32 @!p0 $0x0  }
0x12: {  	s1 =	sld [smem:$0x3F9A];
	s0 =	simm.s32 @p0 $0x1  }
0x13: {  	[smem:$0x3FB5] =	sst s0;
	s0 =	simm.s32 @!p1 $0x0  }
0x14: {  	s2 =	sld [smem:$0x3F99];
	s0 =	simm.s32 @p1 $0x1  }
0x15: {  	[smem:$0x3FB6] =	sst s0;
	s0 =	simm.s32 @!p2 $0x0  }
0x16: {  	s3 =	sld [smem:$0x3FDB];
	s0 =	simm.s32 @p2 $0x1  }
0x17: {  	s4 =	simm.s32 $0x1BF5;
	[smem:$0x3FB8] =	sst s0  }
0x18: {  	s0 =	sld [smem:$0x3F9B];
	_ =	swait.ge [sflag:s4], $0x0  }
0x19: {  	s7 =	sld [smem:$0x3F9C]  }
0x1a: {  	s8 =	sadd.s32 $0xFFFFE003, lr  }
0x1b: {  	s9 =	sadd.s32 $0xFFFFFEF7, lr;
	s5 =	simm.s32 $0xFFFFFFFF;
	p2 =	slt.u32 s8, $0xFFFFF086  }
0x1c: {  	p1 =	slt.u32 s9, $0xF7A;
	s5 =	simm.s32 @!p2 $0x0  }
0x1d: {  	s5 =	simm.s32 @p1 $0x1;
	p0 =	seq.s32 s7, s2  }
0x1e: {  	s7 =	smul.u32 @!p0 $0xF7A, s2;
	p2 =	seq.s32 @!p0 s5, $0x0  }
0x1f: {  	s9 =	smul.u32 $0xF7A, s1;
	s8 =	simm.s32 @!p0 $0x1BF5;
	p2 =	por !p2, p0  }
0x20: {  	[sflag:s8] =	ssyncset.s32 @!p0 $0xFFFFF086;
	s6 =	sadd.s32 @!p0 s3, s7;
	s7 =	simm.s32 @!p0 $0x108  }
0x21: {  	s3 =	sadd.s32 s3, s9;
	s6 =	sadd.s32 @!p0 $0x88, s6;
	s7 =	simm.s32 @p2 $0x1082  }
0x22: {  	[simem:s7], [sflag:s8] =	dma.local @!p0 [hbm:s6], $0xF7A  }
0x23: {  	s9 =	sor.u32 $0xD0000000, s2;
	s6 =	simm.s32 $0x108;
	_ =	swait.ge @!p0 [sflag:s8], $0x0  }
0x24: {  	s3 =	sadd.s32 $0x88, s3;
	s6 =	simm.s32 @!p1 $0x1082;
	[sflag:s4] =	ssyncset.s32 $0xFFFFF086  }
0x25: {  	[simem:s6], [sflag:s4] =	dma.local [hbm:s3], $0xF7A  }
0x26: {  	[smem:$0x3F9C] =	sst s1;
	(tag) =	ssettag s2;
	_ =	strace s9  }
0x27: {  	s1 =	sld [smem:$0x3FAC]  }
0x28: {  	s2 =	sld [smem:$0x3FAD]  }
0x29: {  	s4 =	sld [smem:$0x3FAF]  }
0x2a: {  	p0 =	seq.s32 s5, $0x0;
	s5 =	sld [smem:$0x3FB0]  }
0x2b: {  	s6 =	sld [smem:$0x3FB1]  }
0x2c: {  	s7 =	sld [smem:$0x3FB2]  }
0x2d: {  	s3 =	simm.s32 $0x108;
	s8 =	sld [smem:$0x3FB3]  }
0x2e: {  	s3 =	simm.s32 @!p0 $0x1082;
	s9 =	sld [smem:$0x3FB4]  }
0x2f: {  	lr =	sadd.s32 s0, s3;
	s0 =	sld [smem:$0x3FAB]  }
0x30: {  	s3 =	sld [smem:$0x3FAE]  }
0x31: {  	[smem:$0x3FB7] =	sst s10  }
0x32: {  	s10 =	sld [smem:$0x3FB5];
	_ =	sdelay $0x3  }
0x33: {  	p0 =	seq.s32 s10, $0x1;
	s10 =	sld [smem:$0x3FB7];
	_ =	sdelay $0x3  }
0x34: {  	[smem:$0x3FB7] =	sst s10  }
0x35: {  	s10 =	sld [smem:$0x3FB6];
	_ =	sdelay $0x3  }
0x36: {  	p1 =	seq.s32 s10, $0x1;
	s10 =	sld [smem:$0x3FB7];
	_ =	sdelay $0x3  }
0x37: {  	[smem:$0x3FB7] =	sst s10  }
0x38: {  	s10 =	sld [smem:$0x3FB8]  }
0x39: {  	_ = 	snop;
	(pc) =	sbr.ind lr, $3  }
0x3a: {  	_ = 	snop  }
0x3b: {  	_ = 	snop  }
0x3c: {  	p2 =	seq.s32 s10, $0x1;
	s10 =	sld [smem:$0x3FB7]  }
0x3d: {  	_ =	shalt  }
0x3e: {  	_ =	shalt  }
0x3f: {  	_ =	shalt  }
0x40: {  	_ =	shalt  }
0x41: {  	_ =	shalt  }
0x42: {  	_ =	shalt  }
0x43: {  	_ =	shalt  }
0x44: {  	_ =	shalt  }
0x45: {  	_ =	shalt  }
0x46: {  	_ =	shalt  }
0x47: {  	_ =	shalt  }
0x48: {  	_ =	shalt  }
0x49: {  	_ =	shalt  }
0x4a: {  	_ =	shalt  }
0x4b: {  	_ =	shalt  }
0x4c: {  	_ =	shalt  }
0x4d: {  	_ =	shalt  }
0x4e: {  	_ =	shalt  }
0x4f: {  	_ =	shalt  }
0x50: {  	_ =	shalt  }
0x51: {  	_ =	shalt  }
0x52: {  	_ =	shalt  }
0x53: {  	_ =	shalt  }
0x54: {  	_ =	shalt  }
0x55: {  	_ =	shalt  }
0x56: {  	_ =	shalt  }
0x57: {  	_ =	shalt  }
0x58: {  	_ =	shalt  }
0x59: {  	_ =	shalt  }
0x5a: {  	_ =	shalt  }
0x5b: {  	_ =	shalt  }
0x5c: {  	_ =	shalt  }
0x5d: {  	_ =	shalt  }
0x5e: {  	_ =	shalt  }
0x5f: {  	_ =	shalt  }
0x60: {  	_ =	shalt  }
0x61: {  	_ =	shalt  }
0x62: {  	_ =	shalt  }
0x63: {  	_ =	shalt  }
0x64: {  	_ =	shalt  }
0x65: {  	_ =	shalt  }
0x66: {  	_ =	shalt  }
0x67: {  	_ =	shalt  }
0x68: {  	_ =	shalt  }
0x69: {  	_ =	shalt  }
0x6a: {  	_ =	shalt  }
0x6b: {  	_ =	shalt  }
0x6c: {  	_ =	shalt  }
0x6d: {  	_ =	shalt  }
0x6e: {  	_ =	shalt  }
0x6f: {  	_ =	shalt  }
0x70: {  	_ =	shalt  }
0x71: {  	_ =	shalt  }
0x72: {  	_ =	shalt  }
0x73: {  	_ =	shalt  }
0x74: {  	_ =	shalt  }
0x75: {  	_ =	shalt  }
0x76: {  	_ =	shalt  }
0x77: {  	_ =	shalt  }
0x78: {  	_ =	shalt  }
0x79: {  	_ =	shalt  }
0x7a: {  	_ =	shalt  }
0x7b: {  	_ =	shalt  }
0x7c: {  	_ =	shalt  }
0x7d: {  	_ =	shalt  }
0x7e: {  	_ =	shalt  }
0x7f: {  	_ =	shalt  }
0x80: {  	_ =	shalt  }
0x81: {  	_ =	shalt  }
0x82: {  	_ =	shalt  }
0x83: {  	_ =	shalt  }
0x84: {  	_ =	shalt  }
0x85: {  	_ =	shalt  }
0x86: {  	_ =	shalt  }
0x87: {  	_ =	shalt  }
.Lfunc_end0:
.L_simem_size_0:
called_computation.2_lowered:
.L_overlay_start_0:
0x88: {  	s2 =	sld [smem:$0x3FD9]  }
0x89: {  	s3 =	sld [smem:$0x3FFE];
	_ =	sdelay $0x1  }
0x8a: {  	s1 =	srdreg.scid  }
0x8b: {  	s0 =	sand.u32 $0x1, s1  }
0x8c: {  	s14 =	sshll.u32 s0, $0xA;
	s2 =	sadd.s32 s3, s2  }
0x8d: {  	s2 =	sadd.s32 s2, s14  }
0x8e: {  	[smem:$0x3FC3] =	sst s2  }
0x8f: {  	_ = 	snop  }
0x90: {  	s2 =	sld [smem:$0x3FD0];
	_ =	sdelay $0x2  }
0x91: {  	s15 =	simm.s32 $0xB;
	s4 =	simm.s32 $0x10  }
0x92: {  	[smem:s4], [sflag:s15] =	dma.local [hbm:s2], $0x1  }
0x93: {  	_ =	swait.eq [sflag:s15], $0x1  }
0x94: {  	s16 =	sld [smem:$0x10];
	[sflag:s15] =	ssyncset.done $0x0  }
0x95: {  	s17 =	sld [smem:$0x11];
	[sflag:s15] =	ssyncadd.s32 $0xFFFFFFFF  }
0x96: {  	s18 =	sld [smem:$0x12];
	(tm) =	ssettm $0x1  }
0x97: {  	s5 =	sld [smem:$0x3FFB];
	_ =	sdelay $0x3  }
0x98: {  	_ =	strace s5  }
0x99: {  	s5 =	sld [smem:$0x3FFC];
	_ =	sdelay $0x3  }
0x9a: {  	_ =	strace s5  }
0x9b: {  	s5 =	sld [smem:$0x3FFD];
	_ =	sdelay $0x3  }
0x9c: {  	_ =	strace s5  }
0x9d: {  	_ =	strace $0x8FFFFFFF  }
0x9e: {  	s19 =	sld [smem:$0x3FDB];
	_ =	sdelay $0x1  }
0x9f: {  	s6 =	simm.s32 $_scs_section_size  }
0xa0: {  	s7 =	simm.s32 $_size__tile_overlayer_lowered;
	s8 =	simm.s32 $_tile_overlayer_lowered  }
0xa1: {  	s22 =	simm.s32 $0x1BFF;
	s21 =	sshll.u32 s8, $0x1;
	s5 =	sadd.s32 s6, s19  }
0xa2: {  	s9 =	simm.s32 $0x0;
	s20 =	sshll.u32 s7, $0x1;
	s7 =	sadd.s32 s21, s5  }
0xa3: {  	[timem:s9], [sflag:s22] =	dma.local [hbm:s7], s20  }
0xa4: {  	_ =	swait.ge [sflag:s22], s20  }
0xa5: {  	s6 =	ssub.s32 $0x0, s20;
	[sflag:s22] =	ssyncset.done $0x0  }
0xa6: {  	[sflag:s22] =	ssyncadd.s32 s6;
	_ =	sdelay $0x1  }
0xa7: {  	s23 =	simm.s32 $0x1B8B  }
0xa8: {  	_ =	swait.ge [sflag:s23], $0x1  }
0xa9: {  	[sflag:s23] =	ssyncset.done $0x0  }
0xaa: {  	s25 =	simm.s32 $0x1B8E;
	s24 =	sld [smem:$0x3FFE];
	[sflag:s23] =	ssyncadd.s32 $0xFFFFFFFF  }
0xab: {  	s26 =	simm.s32 $execute0_lowered;
	[smem:$0x3FD2] =	sst s25  }
0xac: {  	s7 =	sshll.u32 s26, $0x1;
	_ =	strace $0x80000046;
	[dreg:$0x1] =	wrdreg $0xFFFFFFFF  }
0xad: {  	s28 =	simm.s32 $_size_execute0_lowered;
	s5 =	sadd.s32 s5, s7;
	[dreg:$0x0] =	wrdreg $0x0  }
0xae: {  	s7 =	sshll.u32 s28, $0x1;
	[dreg:$0x2] =	wrdreg s5  }
0xaf: {  	[dreg:$0x3] =	wrdreg s7  }
0xb0: {  	[dreg:$0x4] =	wrdreg $0xC0  }
0xb1: {  	_ =	task [dreg:s9], $0x5FFFF  }
0xb2: {  	[dreg:$0x1] =	wrdreg $0xFFFFFFFF  }
0xb3: {  	[dreg:$0x0] =	wrdreg $0x60  }
0xb4: {  	[dreg:$0x2] =	wrdreg s24  }
0xb5: {  	[dreg:$0x3] =	wrdreg s18  }
0xb6: {  	[dreg:$0x4] =	wrdreg s16  }
0xb7: {  	[dreg:$0x5] =	wrdreg s17  }
0xb8: {  	[dreg:$0x6] =	wrdreg $0x9  }
0xb9: {  	_ =	task.clear_ibuf [dreg:s9], $0x7FFFF;
	_ =	strace $0x90000046  }
0xba: {  	s29 =	simm.s32 $0x9;
	_ =	strace $0x80000048  }
0xbb: {  	_ =	swait.ge [sflag:s29], $0x1  }
0xbc: {  	[sflag:s29] =	ssyncadd.s32 $0xFFFFFFFF  }
0xbd: {  	_ =	strace $0x90000048  }
0xbe: {  	_ =	sfence  }
0xbf: {  	s30 =	sld [smem:$0x0];
	_ =	sdelay $0x2  }
0xc0: {  	s31 =	sshll.u32 s1, $0xD;
	s1 =	sshrl.u32 s1, $0x2  }
0xc1: {  	s3 =	sand.u32 $0x4000, s31;
	s1 =	sadd.s32 s1, s30  }
0xc2: {  	s0 =	sor.u32 s3, s0;
	s1 =	sshll.u32 s1, $0x11  }
0xc3: {  	s0 =	sor.u32 s1, s0  }
0xc4: {  	s0 =	sadd.s32 $0x8F2B, s0  }
0xc5: {  	[sflag:s0] =	ssyncadd.remote.s32 $0x1  }
0xc6: {  	_ =	sfence.sel $0xFFFF  }
0xc7: {  	[dreg:$0x0] =	wrdreg $0xFFFFFFFF;
	(pc) =	sbr.abs _section_cstart, $3  }
0xc8: {  	[dreg:$0x1] =	wrdreg $0xFFFFFFFF  }
0xc9: {  	_ =	task.clear_ibuf [dreg:s9], $0x2FFFF;
	_ =	strace $0x9FFFFFFF  }
0xca: {  	(tm) =	ssettm $0x7FFFFFFF  }
0xcb: {  	_ =	shalt  }
tec
execute0_lowered:
.L_overlay_start_1:
0x0: {  	(tag) =	ssettag $0x1  }
0x1: {  	s2 =	rddreg [dreg:$0x0]  }
0x2: {  	s1 =	rddreg [dreg:$0x1]  }
0x3: {  	s3 =	srdreg.scid;
	s9 =	rddreg [dreg:$0x2]  }
0x4: {  	s0 =	stileid.u32;
	s11 =	rddreg [dreg:$0x3];
	s13 =	simm.s32 $0x80  }
0x5: {  	s14 =	simm.s32 $0x3000;
	s15 =	simm.s32 $0x5000;
	s16 =	simm.s32 $0x7000  }
0x6: {  	s17 =	simm.s32 $0x9000;
	s18 =	simm.s32 $0xB000;
	s19 =	simm.s32 $0xD000  }
0x7: {  	s20 =	simm.s32 $0xF000;
	s21 =	simm.s32 $0x11000;
	s22 =	simm.s32 $0x1  }
0x8: {  	s23 =	simm.s32 $0x2;
	s24 =	simm.s32 $0x3;
	s25 =	simm.s32 $0x4  }
0x9: {  	s4 =	sand.u32 $0x1, s3;
	s26 =	sshll.u32 s0, $0x1;
	s6 =	smul.u32 $0x180000, s0  }
0xa: {  	s3 =	simm.s32 $0x0;
	s5 =	sor.u32 s4, s26;
	s8 =	smul.u32 $0xC0000, s4  }
0xb: {  	[smem:$0x7FF] =	sst s3;
	s7 =	ssub.s32 $0x2, s4;
	s5 =	smul.u32 $0x600, s5  }
0xc: {  	s4 =	sadd.s32 $0x19200, s2;
	s26 =	simm.s32 $0x0;
	_ =	strace $0x80000047  }
0xd: {  	s28 =	sshrl.u32 s7, $0x1;
	s29 =	sadd.s32 s8, s6;
	s10 =	sadd.s32 s5, s2  }
0xe: {  	s2 =	ssub.s32 s7, s28;
	s30 =	sshrl.u32 s29, $0x3;
	s12 =	sor.u32 $0x8000, s29  }
0xf: {  	s5 =	sadd.s32 $0xD200, s10;
	s6 =	sadd.s32 $0x1200, s10;
	s7 =	smax.u32 s2, $0x1  }
0x10: {  	s8 =	sadd.s32 s30, s9;
	s31 =	sshrl.u32 s12, $0x3;
	s10 =	sadd.s32 s30, s11  }
0x11: {  	s12 =	simm.s32 $0x5;
	s9 =	sadd.s32 s31, s9;
	s11 =	sadd.s32 s31, s11  }
.LBB2_1:
0x12: {  	[tilespmem:s3], [sflag:$0x5] =	stream.linear.gather [hbm4b:s5+s3], $0x3000, $0x38;
	[tilespmem:$0x13000] =	vst v63  }
0x13: {  	_ =	swait.ge [sflag:s12], $0x3000  }
0x14: {  	[sflag:s12] =	ssyncset.done $0x0  }
0x15: {  	s2 =	simm.s32 $0x0;
	[sflag:s12] =	ssyncadd.s32 $0xFFFFD000  }
0x16: {  	[tilespmem:s14], [sflag:$0x1] =	stream.indirect.gather [hbm4b:s4+s13], $0x40, s2, s13, $0xb8;
	[tilespmem:$0x13000] =	vst v63  }
0x17: {  	s0 =	simm.s32 $0x80  }
0x18: {  	[tilespmem:s15], [sflag:$0x1] =	stream.indirect.gather [hbm4b:s4+s13], $0x40, s0, s13, $0xb8;
	[tilespmem:$0x13000] =	vst v63  }
0x19: {  	s0 =	simm.s32 $0x100  }
0x1a: {  	[tilespmem:s16], [sflag:$0x1] =	stream.indirect.gather [hbm4b:s4+s13], $0x40, s0, s13, $0xb8;
	[tilespmem:$0x13000] =	vst v63  }
0x1b: {  	s0 =	simm.s32 $0x180  }
0x1c: {  	[tilespmem:s17], [sflag:$0x1] =	stream.indirect.gather [hbm4b:s4+s13], $0x40, s0, s13, $0xb8;
	[tilespmem:$0x13000] =	vst v63  }
0x1d: {  	s0 =	simm.s32 $0x200  }
0x1e: {  	[tilespmem:s18], [sflag:$0x2] =	stream.indirect.gather [hbm4b:s4+s13], $0x40, s0, s13, $0xb8;
	[tilespmem:$0x13000] =	vst v63  }
0x1f: {  	s0 =	simm.s32 $0x280  }
0x20: {  	[tilespmem:s19], [sflag:$0x2] =	stream.indirect.gather [hbm4b:s4+s13], $0x40, s0, s13, $0xb8;
	[tilespmem:$0x13000] =	vst v63  }
0x21: {  	s0 =	simm.s32 $0x300  }
0x22: {  	[tilespmem:s20], [sflag:$0x2] =	stream.indirect.gather [hbm4b:s4+s13], $0x40, s0, s13, $0xb8;
	[tilespmem:$0x13000] =	vst v63  }
0x23: {  	s0 =	simm.s32 $0x380  }
0x24: {  	[tilespmem:s21], [sflag:$0x2] =	stream.indirect.gather [hbm4b:s4+s13], $0x40, s0, s13, $0xb8;
	[tilespmem:$0x13000] =	vst v63  }
0x25: {  	_ =	swait.ge [sflag:s22], $0x2000  }
0x26: {  	[sflag:s22] =	ssyncset.done $0x0  }
0x27: {  	[sflag:s22] =	ssyncadd.s32 $0xFFFFE000  }
0x28: {  	_ =	swait.ge [sflag:s22], $0x2000  }
0x29: {  	[sflag:s22] =	ssyncset.done $0x0  }
0x2a: {  	[sflag:s22] =	ssyncadd.s32 $0xFFFFE000  }
0x2b: {  	_ =	swait.ge [sflag:s22], $0x2000  }
0x2c: {  	[sflag:s22] =	ssyncset.done $0x0  }
0x2d: {  	[sflag:s22] =	ssyncadd.s32 $0xFFFFE000  }
0x2e: {  	_ =	swait.ge [sflag:s22], $0x2000  }
0x2f: {  	[sflag:s22] =	ssyncset.done $0x0  }
0x30: {  	[sflag:s22] =	ssyncadd.s32 $0xFFFFE000  }
0x31: {  	[hbm4b:s8+s3] =	stream.linear.scatter [tilespmem:s14], [sflag:$0x3], $0x8000, $0x38;
	[tilespmem:$0x13000] =	vst v63  }
0x32: {  	_ =	swait.ge [sflag:s23], $0x2000  }
0x33: {  	[sflag:s23] =	ssyncset.done $0x0  }
0x34: {  	[sflag:s23] =	ssyncadd.s32 $0xFFFFE000  }
0x35: {  	_ =	swait.ge [sflag:s23], $0x2000  }
0x36: {  	[sflag:s23] =	ssyncset.done $0x0  }
0x37: {  	[sflag:s23] =	ssyncadd.s32 $0xFFFFE000  }
0x38: {  	_ =	swait.ge [sflag:s23], $0x2000  }
0x39: {  	[sflag:s23] =	ssyncset.done $0x0  }
0x3a: {  	[sflag:s23] =	ssyncadd.s32 $0xFFFFE000  }
0x3b: {  	_ =	swait.ge [sflag:s23], $0x2000  }
0x3c: {  	[sflag:s23] =	ssyncset.done $0x0  }
0x3d: {  	[sflag:s23] =	ssyncadd.s32 $0xFFFFE000  }
0x3e: {  	[hbm4b:s9+s3] =	stream.linear.scatter [tilespmem:s18], [sflag:$0x4], $0x8000, $0x38;
	[tilespmem:$0x13000] =	vst v63  }
0x3f: {  	_ =	swait.ge [sflag:s24], $0x8000  }
0x40: {  	[sflag:s24] =	ssyncset.done $0x0  }
0x41: {  	[sflag:s24] =	ssyncadd.s32 $0xFFFF8000  }
0x42: {  	s30 =	simm.s32 $0x1000;
	s31 =	simm.s32 $0x2000;
	_ =	swait.ge [sflag:s25], $0x8000  }
0x43: {  	s29 =	sadd.s32 $0x2000, s8;
	s28 =	sadd.s32 $0x2000, s9;
	[sflag:s25] =	ssyncset.done $0x0  }
.LBB2_2:
0x44: {  	s0 =	sshra.s32 s30, $0x2  }
0x45: {  	[sflag:s25] =	ssyncadd.s32 $0xFFFF8000;
	s30 =	smov.u32 s31;
	s2 =	sadd.s32 $0x1000, s31  }
0x46: {  	[tilespmem:s14], [sflag:$0x1] =	stream.indirect.gather [hbm4b:s4+s13], $0x40, s0, s13, $0xb8;
	[tilespmem:$0x13000] =	vst v63  }
0x47: {  	p0 =	sne.s32 s31, $0xB000;
	s31 =	sadd.s32 $0x80, s0  }
0x48: {  	[tilespmem:s15], [sflag:$0x1] =	stream.indirect.gather [hbm4b:s4+s13], $0x40, s31, s13, $0xb8;
	[tilespmem:$0x13000] =	vst v63  }
0x49: {  	s31 =	sadd.s32 $0x100, s0  }
0x4a: {  	[tilespmem:s16], [sflag:$0x1] =	stream.indirect.gather [hbm4b:s4+s13], $0x40, s31, s13, $0xb8;
	[tilespmem:$0x13000] =	vst v63  }
0x4b: {  	s31 =	sadd.s32 $0x180, s0  }
0x4c: {  	[tilespmem:s17], [sflag:$0x1] =	stream.indirect.gather [hbm4b:s4+s13], $0x40, s31, s13, $0xb8;
	[tilespmem:$0x13000] =	vst v63  }
0x4d: {  	s31 =	sadd.s32 $0x200, s0  }
0x4e: {  	[tilespmem:s18], [sflag:$0x2] =	stream.indirect.gather [hbm4b:s4+s13], $0x40, s31, s13, $0xb8;
	[tilespmem:$0x13000] =	vst v63  }
0x4f: {  	s31 =	sadd.s32 $0x280, s0  }
0x50: {  	[tilespmem:s19], [sflag:$0x2] =	stream.indirect.gather [hbm4b:s4+s13], $0x40, s31, s13, $0xb8;
	[tilespmem:$0x13000] =	vst v63  }
0x51: {  	s31 =	sadd.s32 $0x300, s0  }
0x52: {  	[tilespmem:s20], [sflag:$0x2] =	stream.indirect.gather [hbm4b:s4+s13], $0x40, s31, s13, $0xb8;
	[tilespmem:$0x13000] =	vst v63  }
0x53: {  	s0 =	sadd.s32 $0x380, s0  }
0x54: {  	[tilespmem:s21], [sflag:$0x2] =	stream.indirect.gather [hbm4b:s4+s13], $0x40, s0, s13, $0xb8;
	[tilespmem:$0x13000] =	vst v63  }
0x55: {  	_ =	swait.ge [sflag:s22], $0x2000  }
0x56: {  	[sflag:s22] =	ssyncset.done $0x0  }
0x57: {  	[sflag:s22] =	ssyncadd.s32 $0xFFFFE000  }
0x58: {  	_ =	swait.ge [sflag:s22], $0x2000  }
0x59: {  	[sflag:s22] =	ssyncset.done $0x0  }
0x5a: {  	[sflag:s22] =	ssyncadd.s32 $0xFFFFE000  }
0x5b: {  	_ =	swait.ge [sflag:s22], $0x2000  }
0x5c: {  	[sflag:s22] =	ssyncset.done $0x0  }
0x5d: {  	[sflag:s22] =	ssyncadd.s32 $0xFFFFE000  }
0x5e: {  	_ =	swait.ge [sflag:s22], $0x2000  }
0x5f: {  	[sflag:s22] =	ssyncset.done $0x0  }
0x60: {  	[sflag:s22] =	ssyncadd.s32 $0xFFFFE000  }
0x61: {  	[hbm4b:s29+s3] =	stream.linear.scatter [tilespmem:s14], [sflag:$0x3], $0x8000, $0x38;
	[tilespmem:$0x13000] =	vst v63  }
0x62: {  	_ =	swait.ge [sflag:s23], $0x2000  }
0x63: {  	[sflag:s23] =	ssyncset.done $0x0  }
0x64: {  	[sflag:s23] =	ssyncadd.s32 $0xFFFFE000  }
0x65: {  	_ =	swait.ge [sflag:s23], $0x2000  }
0x66: {  	[sflag:s23] =	ssyncset.done $0x0  }
0x67: {  	[sflag:s23] =	ssyncadd.s32 $0xFFFFE000  }
0x68: {  	_ =	swait.ge [sflag:s23], $0x2000  }
0x69: {  	[sflag:s23] =	ssyncset.done $0x0  }
0x6a: {  	[sflag:s23] =	ssyncadd.s32 $0xFFFFE000  }
0x6b: {  	_ =	swait.ge [sflag:s23], $0x2000  }
0x6c: {  	[sflag:s23] =	ssyncset.done $0x0  }
0x6d: {  	[sflag:s23] =	ssyncadd.s32 $0xFFFFE000  }
0x6e: {  	[hbm4b:s28+s3] =	stream.linear.scatter [tilespmem:s18], [sflag:$0x4], $0x8000, $0x38;
	[tilespmem:$0x13000] =	vst v63  }
.Ltmp0:
0x6f: {  	_ =	swait.ge [sflag:s24], $0x8000;
	(pc) =	sbr.rel @p0 .LBB2_2-.Ltmp0, $4  }
0x70: {  	[sflag:s24] =	ssyncset.done $0x0  }
0x71: {  	[sflag:s24] =	ssyncadd.s32 $0xFFFF8000  }
0x72: {  	s31 =	smov.u32 s2;
	_ =	swait.ge [sflag:s25], $0x8000  }
0x73: {  	s29 =	sadd.s32 $0x2000, s29;
	s28 =	sadd.s32 $0x2000, s28;
	[sflag:s25] =	ssyncset.done $0x0  }
0x74: {  	s0 =	sshra.s32 s30, $0x2;
	[sflag:s25] =	ssyncadd.s32 $0xFFFF8000  }
0x75: {  	[tilespmem:s14], [sflag:$0x1] =	stream.indirect.gather [hbm4b:s4+s13], $0x40, s0, s13, $0xb8;
	[tilespmem:$0x13000] =	vst v63  }
0x76: {  	s2 =	sadd.s32 $0x80, s0  }
0x77: {  	[tilespmem:s15], [sflag:$0x1] =	stream.indirect.gather [hbm4b:s4+s13], $0x40, s2, s13, $0xb8;
	[tilespmem:$0x13000] =	vst v63  }
0x78: {  	s31 =	sadd.s32 $0x100, s0  }
0x79: {  	[tilespmem:s16], [sflag:$0x1] =	stream.indirect.gather [hbm4b:s4+s13], $0x40, s31, s13, $0xb8;
	[tilespmem:$0x13000] =	vst v63  }
0x7a: {  	s31 =	sadd.s32 $0x180, s0  }
0x7b: {  	[tilespmem:s17], [sflag:$0x1] =	stream.indirect.gather [hbm4b:s4+s13], $0x40, s31, s13, $0xb8;
	[tilespmem:$0x13000] =	vst v63  }
0x7c: {  	s31 =	sadd.s32 $0x200, s0  }
0x7d: {  	[tilespmem:s18], [sflag:$0x2] =	stream.indirect.gather [hbm4b:s4+s13], $0x40, s31, s13, $0xb8;
	[tilespmem:$0x13000] =	vst v63  }
0x7e: {  	s31 =	sadd.s32 $0x280, s0  }
0x7f: {  	[tilespmem:s19], [sflag:$0x2] =	stream.indirect.gather [hbm4b:s4+s13], $0x40, s31, s13, $0xb8;
	[tilespmem:$0x13000] =	vst v63  }
0x80: {  	s31 =	sadd.s32 $0x300, s0  }
0x81: {  	[tilespmem:s20], [sflag:$0x2] =	stream.indirect.gather [hbm4b:s4+s13], $0x40, s31, s13, $0xb8;
	[tilespmem:$0x13000] =	vst v63  }
0x82: {  	s0 =	sadd.s32 $0x380, s0  }
0x83: {  	[tilespmem:s21], [sflag:$0x2] =	stream.indirect.gather [hbm4b:s4+s13], $0x40, s0, s13, $0xb8;
	[tilespmem:$0x13000] =	vst v63  }
0x84: {  	_ =	swait.ge [sflag:s22], $0x2000  }
0x85: {  	[sflag:s22] =	ssyncset.done $0x0  }
0x86: {  	[sflag:s22] =	ssyncadd.s32 $0xFFFFE000  }
0x87: {  	_ =	swait.ge [sflag:s22], $0x2000  }
0x88: {  	[sflag:s22] =	ssyncset.done $0x0  }
0x89: {  	[sflag:s22] =	ssyncadd.s32 $0xFFFFE000  }
0x8a: {  	_ =	swait.ge [sflag:s22], $0x2000  }
0x8b: {  	[sflag:s22] =	ssyncset.done $0x0  }
0x8c: {  	[sflag:s22] =	ssyncadd.s32 $0xFFFFE000  }
0x8d: {  	_ =	swait.ge [sflag:s22], $0x2000  }
0x8e: {  	[sflag:s22] =	ssyncset.done $0x0  }
0x8f: {  	[sflag:s22] =	ssyncadd.s32 $0xFFFFE000  }
0x90: {  	[hbm4b:s29+s3] =	stream.linear.scatter [tilespmem:s14], [sflag:$0x3], $0x8000, $0x38;
	[tilespmem:$0x13000] =	vst v63  }
0x91: {  	_ =	swait.ge [sflag:s23], $0x2000  }
0x92: {  	[sflag:s23] =	ssyncset.done $0x0  }
0x93: {  	[sflag:s23] =	ssyncadd.s32 $0xFFFFE000  }
0x94: {  	_ =	swait.ge [sflag:s23], $0x2000  }
0x95: {  	[sflag:s23] =	ssyncset.done $0x0  }
0x96: {  	[sflag:s23] =	ssyncadd.s32 $0xFFFFE000  }
0x97: {  	_ =	swait.ge [sflag:s23], $0x2000  }
0x98: {  	[sflag:s23] =	ssyncset.done $0x0  }
0x99: {  	[sflag:s23] =	ssyncadd.s32 $0xFFFFE000  }
0x9a: {  	_ =	swait.ge [sflag:s23], $0x2000  }
0x9b: {  	[sflag:s23] =	ssyncset.done $0x0  }
0x9c: {  	[sflag:s23] =	ssyncadd.s32 $0xFFFFE000  }
0x9d: {  	[hbm4b:s28+s3] =	stream.linear.scatter [tilespmem:s18], [sflag:$0x4], $0x8000, $0x38;
	[tilespmem:$0x13000] =	vst v63  }
0x9e: {  	_ =	swait.ge [sflag:s24], $0x8000  }
0x9f: {  	[sflag:s24] =	ssyncset.done $0x0  }
0xa0: {  	[sflag:s24] =	ssyncadd.s32 $0xFFFF8000  }
0xa1: {  	_ =	swait.ge [sflag:s25], $0x8000  }
0xa2: {  	[sflag:s25] =	ssyncset.done $0x0  }
0xa3: {  	s31 =	simm.s32 $0x0;
	[sflag:s25] =	ssyncadd.s32 $0xFFFF8000  }
0xa4: {  	[tilespmem:s31], [sflag:$0x5] =	stream.linear.gather [hbm4b:s6+s31], $0x3000, $0x38;
	[tilespmem:$0x13000] =	vst v63  }
0xa5: {  	_ =	swait.ge [sflag:s12], $0x3000  }
0xa6: {  	[sflag:s12] =	ssyncset.done $0x0  }
0xa7: {  	s2 =	simm.s32 $0x0;
	[sflag:s12] =	ssyncadd.s32 $0xFFFFD000  }
0xa8: {  	[tilespmem:s14], [sflag:$0x1] =	stream.indirect.gather [hbm4b:s1+s13], $0x40, s2, s13, $0xb8;
	[tilespmem:$0x13000] =	vst v63  }
0xa9: {  	s31 =	simm.s32 $0x80  }
0xaa: {  	[tilespmem:s15], [sflag:$0x1] =	stream.indirect.gather [hbm4b:s1+s13], $0x40, s31, s13, $0xb8;
	[tilespmem:$0x13000] =	vst v63  }
0xab: {  	s2 =	simm.s32 $0x100  }
0xac: {  	[tilespmem:s16], [sflag:$0x1] =	stream.indirect.gather [hbm4b:s1+s13], $0x40, s2, s13, $0xb8;
	[tilespmem:$0x13000] =	vst v63  }
0xad: {  	s31 =	simm.s32 $0x180  }
0xae: {  	[tilespmem:s17], [sflag:$0x1] =	stream.indirect.gather [hbm4b:s1+s13], $0x40, s31, s13, $0xb8;
	[tilespmem:$0x13000] =	vst v63  }
0xaf: {  	s2 =	simm.s32 $0x200  }
0xb0: {  	[tilespmem:s18], [sflag:$0x2] =	stream.indirect.gather [hbm4b:s1+s13], $0x40, s2, s13, $0xb8;
	[tilespmem:$0x13000] =	vst v63  }
0xb1: {  	s31 =	simm.s32 $0x280  }
0xb2: {  	[tilespmem:s19], [sflag:$0x2] =	stream.indirect.gather [hbm4b:s1+s13], $0x40, s31, s13, $0xb8;
	[tilespmem:$0x13000] =	vst v63  }
0xb3: {  	s2 =	simm.s32 $0x300  }
0xb4: {  	[tilespmem:s20], [sflag:$0x2] =	stream.indirect.gather [hbm4b:s1+s13], $0x40, s2, s13, $0xb8;
	[tilespmem:$0x13000] =	vst v63  }
0xb5: {  	s31 =	simm.s32 $0x380  }
0xb6: {  	[tilespmem:s21], [sflag:$0x2] =	stream.indirect.gather [hbm4b:s1+s13], $0x40, s31, s13, $0xb8;
	[tilespmem:$0x13000] =	vst v63  }
0xb7: {  	_ =	swait.ge [sflag:s22], $0x2000  }
0xb8: {  	[sflag:s22] =	ssyncset.done $0x0  }
0xb9: {  	[sflag:s22] =	ssyncadd.s32 $0xFFFFE000  }
0xba: {  	_ =	swait.ge [sflag:s22], $0x2000  }
0xbb: {  	[sflag:s22] =	ssyncset.done $0x0  }
0xbc: {  	[sflag:s22] =	ssyncadd.s32 $0xFFFFE000  }
0xbd: {  	_ =	swait.ge [sflag:s22], $0x2000  }
0xbe: {  	[sflag:s22] =	ssyncset.done $0x0  }
0xbf: {  	[sflag:s22] =	ssyncadd.s32 $0xFFFFE000  }
0xc0: {  	_ =	swait.ge [sflag:s22], $0x2000  }
0xc1: {  	[sflag:s22] =	ssyncset.done $0x0  }
0xc2: {  	[sflag:s22] =	ssyncadd.s32 $0xFFFFE000  }
0xc3: {  	[hbm4b:s10+s3] =	stream.linear.scatter [tilespmem:s14], [sflag:$0x3], $0x8000, $0x38;
	[tilespmem:$0x13000] =	vst v63  }
0xc4: {  	_ =	swait.ge [sflag:s23], $0x2000  }
0xc5: {  	[sflag:s23] =	ssyncset.done $0x0  }
0xc6: {  	[sflag:s23] =	ssyncadd.s32 $0xFFFFE000  }
0xc7: {  	_ =	swait.ge [sflag:s23], $0x2000  }
0xc8: {  	[sflag:s23] =	ssyncset.done $0x0  }
0xc9: {  	[sflag:s23] =	ssyncadd.s32 $0xFFFFE000  }
0xca: {  	_ =	swait.ge [sflag:s23], $0x2000  }
0xcb: {  	[sflag:s23] =	ssyncset.done $0x0  }
0xcc: {  	[sflag:s23] =	ssyncadd.s32 $0xFFFFE000  }
0xcd: {  	_ =	swait.ge [sflag:s23], $0x2000  }
0xce: {  	[sflag:s23] =	ssyncset.done $0x0  }
0xcf: {  	[sflag:s23] =	ssyncadd.s32 $0xFFFFE000  }
0xd0: {  	[hbm4b:s11+s3] =	stream.linear.scatter [tilespmem:s18], [sflag:$0x4], $0x8000, $0x38;
	[tilespmem:$0x13000] =	vst v63  }
0xd1: {  	_ =	swait.ge [sflag:s24], $0x8000  }
0xd2: {  	[sflag:s24] =	ssyncset.done $0x0  }
0xd3: {  	[sflag:s24] =	ssyncadd.s32 $0xFFFF8000  }
0xd4: {  	s30 =	simm.s32 $0x1000;
	s29 =	sadd.s32 $0x2000, s10;
	_ =	swait.ge [sflag:s25], $0x8000  }
0xd5: {  	s28 =	sadd.s32 $0x2000, s11;
	s2 =	simm.s32 $0x2000;
	[sflag:s25] =	ssyncset.done $0x0  }
.LBB2_4:
0xd6: {  	s0 =	sshra.s32 s30, $0x2  }
0xd7: {  	[sflag:s25] =	ssyncadd.s32 $0xFFFF8000;
	s30 =	smov.u32 s2;
	s31 =	sadd.s32 $0x1000, s2  }
0xd8: {  	[tilespmem:s14], [sflag:$0x1] =	stream.indirect.gather [hbm4b:s1+s13], $0x40, s0, s13, $0xb8;
	[tilespmem:$0x13000] =	vst v63  }
0xd9: {  	p0 =	sne.s32 s2, $0xB000;
	s2 =	sadd.s32 $0x80, s0  }
0xda: {  	[tilespmem:s15], [sflag:$0x1] =	stream.indirect.gather [hbm4b:s1+s13], $0x40, s2, s13, $0xb8;
	[tilespmem:$0x13000] =	vst v63  }
0xdb: {  	s2 =	sadd.s32 $0x100, s0  }
0xdc: {  	[tilespmem:s16], [sflag:$0x1] =	stream.indirect.gather [hbm4b:s1+s13], $0x40, s2, s13, $0xb8;
	[tilespmem:$0x13000] =	vst v63  }
0xdd: {  	s2 =	sadd.s32 $0x180, s0  }
0xde: {  	[tilespmem:s17], [sflag:$0x1] =	stream.indirect.gather [hbm4b:s1+s13], $0x40, s2, s13, $0xb8;
	[tilespmem:$0x13000] =	vst v63  }
0xdf: {  	s2 =	sadd.s32 $0x200, s0  }
0xe0: {  	[tilespmem:s18], [sflag:$0x2] =	stream.indirect.gather [hbm4b:s1+s13], $0x40, s2, s13, $0xb8;
	[tilespmem:$0x13000] =	vst v63  }
0xe1: {  	s2 =	sadd.s32 $0x280, s0  }
0xe2: {  	[tilespmem:s19], [sflag:$0x2] =	stream.indirect.gather [hbm4b:s1+s13], $0x40, s2, s13, $0xb8;
	[tilespmem:$0x13000] =	vst v63  }
0xe3: {  	s2 =	sadd.s32 $0x300, s0  }
0xe4: {  	[tilespmem:s20], [sflag:$0x2] =	stream.indirect.gather [hbm4b:s1+s13], $0x40, s2, s13, $0xb8;
	[tilespmem:$0x13000] =	vst v63  }
0xe5: {  	s0 =	sadd.s32 $0x380, s0  }
0xe6: {  	[tilespmem:s21], [sflag:$0x2] =	stream.indirect.gather [hbm4b:s1+s13], $0x40, s0, s13, $0xb8;
	[tilespmem:$0x13000] =	vst v63  }
0xe7: {  	_ =	swait.ge [sflag:s22], $0x2000  }
0xe8: {  	[sflag:s22] =	ssyncset.done $0x0  }
0xe9: {  	[sflag:s22] =	ssyncadd.s32 $0xFFFFE000  }
0xea: {  	_ =	swait.ge [sflag:s22], $0x2000  }
0xeb: {  	[sflag:s22] =	ssyncset.done $0x0  }
0xec: {  	[sflag:s22] =	ssyncadd.s32 $0xFFFFE000  }
0xed: {  	_ =	swait.ge [sflag:s22], $0x2000  }
0xee: {  	[sflag:s22] =	ssyncset.done $0x0  }
0xef: {  	[sflag:s22] =	ssyncadd.s32 $0xFFFFE000  }
0xf0: {  	_ =	swait.ge [sflag:s22], $0x2000  }
0xf1: {  	[sflag:s22] =	ssyncset.done $0x0  }
0xf2: {  	[sflag:s22] =	ssyncadd.s32 $0xFFFFE000  }
0xf3: {  	[hbm4b:s29+s3] =	stream.linear.scatter [tilespmem:s14], [sflag:$0x3], $0x8000, $0x38;
	[tilespmem:$0x13000] =	vst v63  }
0xf4: {  	_ =	swait.ge [sflag:s23], $0x2000  }
0xf5: {  	[sflag:s23] =	ssyncset.done $0x0  }
0xf6: {  	[sflag:s23] =	ssyncadd.s32 $0xFFFFE000  }
0xf7: {  	_ =	swait.ge [sflag:s23], $0x2000  }
0xf8: {  	[sflag:s23] =	ssyncset.done $0x0  }
0xf9: {  	[sflag:s23] =	ssyncadd.s32 $0xFFFFE000  }
0xfa: {  	_ =	swait.ge [sflag:s23], $0x2000  }
0xfb: {  	[sflag:s23] =	ssyncset.done $0x0  }
0xfc: {  	[sflag:s23] =	ssyncadd.s32 $0xFFFFE000  }
0xfd: {  	_ =	swait.ge [sflag:s23], $0x2000  }
0xfe: {  	[sflag:s23] =	ssyncset.done $0x0  }
0xff: {  	[sflag:s23] =	ssyncadd.s32 $0xFFFFE000  }
0x100: {  	[hbm4b:s28+s3] =	stream.linear.scatter [tilespmem:s18], [sflag:$0x4], $0x8000, $0x38;
	[tilespmem:$0x13000] =	vst v63  }
.Ltmp1:
0x101: {  	_ =	swait.ge [sflag:s24], $0x8000;
	(pc) =	sbr.rel @p0 .LBB2_4-.Ltmp1, $4  }
0x102: {  	[sflag:s24] =	ssyncset.done $0x0  }
0x103: {  	[sflag:s24] =	ssyncadd.s32 $0xFFFF8000  }
0x104: {  	s2 =	smov.u32 s31;
	_ =	swait.ge [sflag:s25], $0x8000  }
0x105: {  	s29 =	sadd.s32 $0x2000, s29;
	s28 =	sadd.s32 $0x2000, s28;
	[sflag:s25] =	ssyncset.done $0x0  }
0x106: {  	s0 =	sshra.s32 s30, $0x2;
	[sflag:s25] =	ssyncadd.s32 $0xFFFF8000  }
0x107: {  	[tilespmem:s14], [sflag:$0x1] =	stream.indirect.gather [hbm4b:s1+s13], $0x40, s0, s13, $0xb8;
	[tilespmem:$0x13000] =	vst v63  }
0x108: {  	s2 =	sadd.s32 $0x80, s0  }
0x109: {  	[tilespmem:s15], [sflag:$0x1] =	stream.indirect.gather [hbm4b:s1+s13], $0x40, s2, s13, $0xb8;
	[tilespmem:$0x13000] =	vst v63  }
0x10a: {  	s31 =	sadd.s32 $0x100, s0  }
0x10b: {  	[tilespmem:s16], [sflag:$0x1] =	stream.indirect.gather [hbm4b:s1+s13], $0x40, s31, s13, $0xb8;
	[tilespmem:$0x13000] =	vst v63  }
0x10c: {  	s30 =	sadd.s32 $0x180, s0  }
0x10d: {  	[tilespmem:s17], [sflag:$0x1] =	stream.indirect.gather [hbm4b:s1+s13], $0x40, s30, s13, $0xb8;
	[tilespmem:$0x13000] =	vst v63  }
0x10e: {  	s31 =	sadd.s32 $0x200, s0  }
0x10f: {  	[tilespmem:s18], [sflag:$0x2] =	stream.indirect.gather [hbm4b:s1+s13], $0x40, s31, s13, $0xb8;
	[tilespmem:$0x13000] =	vst v63  }
0x110: {  	s30 =	sadd.s32 $0x280, s0  }
0x111: {  	[tilespmem:s19], [sflag:$0x2] =	stream.indirect.gather [hbm4b:s1+s13], $0x40, s30, s13, $0xb8;
	[tilespmem:$0x13000] =	vst v63  }
0x112: {  	s31 =	sadd.s32 $0x300, s0  }
0x113: {  	[tilespmem:s20], [sflag:$0x2] =	stream.indirect.gather [hbm4b:s1+s13], $0x40, s31, s13, $0xb8;
	[tilespmem:$0x13000] =	vst v63  }
0x114: {  	s0 =	sadd.s32 $0x380, s0  }
0x115: {  	[tilespmem:s21], [sflag:$0x2] =	stream.indirect.gather [hbm4b:s1+s13], $0x40, s0, s13, $0xb8;
	[tilespmem:$0x13000] =	vst v63  }
0x116: {  	_ =	swait.ge [sflag:s22], $0x2000  }
0x117: {  	[sflag:s22] =	ssyncset.done $0x0  }
0x118: {  	[sflag:s22] =	ssyncadd.s32 $0xFFFFE000  }
0x119: {  	_ =	swait.ge [sflag:s22], $0x2000  }
0x11a: {  	[sflag:s22] =	ssyncset.done $0x0  }
0x11b: {  	[sflag:s22] =	ssyncadd.s32 $0xFFFFE000  }
0x11c: {  	_ =	swait.ge [sflag:s22], $0x2000  }
0x11d: {  	[sflag:s22] =	ssyncset.done $0x0  }
0x11e: {  	[sflag:s22] =	ssyncadd.s32 $0xFFFFE000  }
0x11f: {  	_ =	swait.ge [sflag:s22], $0x2000  }
0x120: {  	[sflag:s22] =	ssyncset.done $0x0  }
0x121: {  	[sflag:s22] =	ssyncadd.s32 $0xFFFFE000  }
0x122: {  	[hbm4b:s29+s3] =	stream.linear.scatter [tilespmem:s14], [sflag:$0x3], $0x8000, $0x38;
	[tilespmem:$0x13000] =	vst v63  }
0x123: {  	_ =	swait.ge [sflag:s23], $0x2000  }
0x124: {  	[sflag:s23] =	ssyncset.done $0x0  }
0x125: {  	[sflag:s23] =	ssyncadd.s32 $0xFFFFE000  }
0x126: {  	_ =	swait.ge [sflag:s23], $0x2000  }
0x127: {  	[sflag:s23] =	ssyncset.done $0x0  }
0x128: {  	[sflag:s23] =	ssyncadd.s32 $0xFFFFE000  }
0x129: {  	_ =	swait.ge [sflag:s23], $0x2000  }
0x12a: {  	[sflag:s23] =	ssyncset.done $0x0  }
0x12b: {  	[sflag:s23] =	ssyncadd.s32 $0xFFFFE000  }
0x12c: {  	_ =	swait.ge [sflag:s23], $0x2000  }
0x12d: {  	[sflag:s23] =	ssyncset.done $0x0  }
0x12e: {  	s26 =	sadd.s32 $0x1, s26;
	[sflag:s23] =	ssyncadd.s32 $0xFFFFE000  }
0x12f: {  	[hbm4b:s28+s3] =	stream.linear.scatter [tilespmem:s18], [sflag:$0x4], $0x8000, $0x38;
	[tilespmem:$0x13000] =	vst v63  }
0x130: {  	p0 =	sne.s32 s26, s7;
	_ =	swait.ge [sflag:s24], $0x8000  }
.Ltmp2:
0x131: {  	[sflag:s24] =	ssyncset.done $0x0;
	(pc) =	sbr.rel @p0 .LBB2_1-.Ltmp2, $4  }
0x132: {  	[sflag:s24] =	ssyncadd.s32 $0xFFFF8000  }
0x133: {  	_ =	swait.ge [sflag:s25], $0x8000  }
0x134: {  	[sflag:s25] =	ssyncset.done $0x0  }
0x135: {  	[sflag:s25] =	ssyncadd.s32 $0xFFFF8000  }
0x136: {  	_ =	sfence.sel $0x180000  }
0x137: {  	[bflag:$0x0] =	sbarrier.arrive $0xFFFF  }
0x138: {  	_ =	strace $0x90000047  }
0x139: {  	s0 =	stileid.u32;
	[bflag:$0x2] =	sbarrier.arrive $0xFFFF  }
0x13a: {  	p0 =	sne.s32 s0, $0x0;
	s0 =	rddreg [dreg:$0x4]  }
0x13b: {  	s0 =	sadd.s32 @!p0 $0x100000, s0  }
0x13c: {  	[sflag:s0] =	ssyncadd.tile.s32 @!p0 $0x1;
	_ =	shalt  }
.Lfunc_end2:
_tile_overlayer_lowered:
.L_overlay_start_2:
0x13d: {  	(tag) =	ssettag $0x2  }
0x13e: {  	s0 =	rddreg [dreg:$0x0];
	s2 =	stileid.u32  }
0x13f: {  	s1 =	rddreg [dreg:$0x1];
	p0 =	sne.s32 s2, $0x0  }
0x140: {  	s3 =	rddreg [dreg:$0x2];
	[bflag:$0x3] =	sbarrier.arrive $0xFFFF;
	s2 =	simm.s32 @!p0 $0x1C05  }
0x141: {  	[timem:s3], [sflag:s2] =	dma.local @!p0 [hbm:s0], s1  }
0x142: {  	s0 =	simm.s32 @!p0 $0x5  }
0x143: {  	_ =	swait.ge @!p0 [sflag:s0], s1  }
0x144: {  	s1 =	ssub.s32 @!p0 $0x0, s1;
	[sflag:s0] =	ssyncset.done @!p0 $0x0  }
0x145: {  	[sflag:s0] =	ssyncadd.s32 @!p0 s1  }
0x146: {  	[bflag:$0x3] =	sbarrier.arrive $0xFFFF  }
0x147: {  	_ =	shalt  }

// kernel: sparse-core-data-format-call.1.cloned.1.call-start
scs
called_computation.1_lowered:
.L_overlay_start_0:
0x0: {  	s2 =	sld [smem:$0x3FD9]  }
0x1: {  	s3 =	sld [smem:$0x3FFE];
	_ =	sdelay $0x1  }
0x2: {  	s1 =	srdreg.scid  }
0x3: {  	s0 =	sand.u32 $0x1, s1  }
0x4: {  	s15 =	sshll.u32 s0, $0xA;
	s2 =	sadd.s32 s3, s2  }
0x5: {  	s2 =	sadd.s32 s2, s15  }
0x6: {  	[smem:$0x3FC3] =	sst s2  }
0x7: {  	_ = 	snop  }
0x8: {  	s2 =	sld [smem:$0x3FD0];
	_ =	sdelay $0x2  }
0x9: {  	s16 =	simm.s32 $0xB;
	s4 =	simm.s32 $0x10  }
0xa: {  	[smem:s4], [sflag:s16] =	dma.local [hbm:s2], $0x1  }
0xb: {  	_ =	swait.eq [sflag:s16], $0x1  }
0xc: {  	[sflag:s16] =	ssyncset.done $0x0  }
0xd: {  	[sflag:s16] =	ssyncadd.s32 $0xFFFFFFFF  }
0xe: {  	s17 =	sld [smem:$0x10];
	(tm) =	ssettm $0x1  }
0xf: {  	s18 =	sld [smem:$0x3FFB];
	_ =	sdelay $0x3  }
0x10: {  	_ =	strace s18  }
0x11: {  	s3 =	sld [smem:$0x3FFC];
	_ =	sdelay $0x3  }
0x12: {  	_ =	strace s3  }
0x13: {  	s3 =	sld [smem:$0x3FFD];
	_ =	sdelay $0x3  }
0x14: {  	_ =	strace s3  }
0x15: {  	_ =	strace $0x8FFFFFFF  }
0x16: {  	s19 =	sld [smem:$0x3FDB];
	_ =	sdelay $0x1  }
0x17: {  	s20 =	simm.s32 $_scs_section_size  }
0x18: {  	s5 =	simm.s32 $_size__tile_overlayer_lowered;
	s6 =	simm.s32 $_tile_overlayer_lowered  }
0x19: {  	s23 =	simm.s32 $0x1BFF;
	s22 =	sshll.u32 s6, $0x1;
	s3 =	sadd.s32 s20, s19  }
0x1a: {  	s7 =	simm.s32 $0x0;
	s21 =	sshll.u32 s5, $0x1;
	s5 =	sadd.s32 s22, s3  }
0x1b: {  	[timem:s7], [sflag:s23] =	dma.local [hbm:s5], s21  }
0x1c: {  	_ =	swait.ge [sflag:s23], s21  }
0x1d: {  	s4 =	ssub.s32 $0x0, s21;
	[sflag:s23] =	ssyncset.done $0x0  }
0x1e: {  	[sflag:s23] =	ssyncadd.s32 s4;
	_ =	sdelay $0x1  }
0x1f: {  	s24 =	simm.s32 $0x1B8B  }
0x20: {  	_ =	swait.ge [sflag:s24], $0x1  }
0x21: {  	[sflag:s24] =	ssyncset.done $0x0  }
0x22: {  	s26 =	simm.s32 $0x1B8E;
	s25 =	sld [smem:$0x3FFE];
	[sflag:s24] =	ssyncadd.s32 $0xFFFFFFFF  }
0x23: {  	s27 =	simm.s32 $execute0_lowered;
	[smem:$0x3FD2] =	sst s26  }
0x24: {  	s5 =	sshll.u32 s27, $0x1;
	_ =	strace $0x80000049;
	[dreg:$0x1] =	wrdreg $0xFFFFFFFF  }
0x25: {  	s28 =	simm.s32 $_size_execute0_lowered;
	s3 =	sadd.s32 s3, s5;
	[dreg:$0x0] =	wrdreg $0x0  }
0x26: {  	s5 =	sshll.u32 s28, $0x1;
	[dreg:$0x2] =	wrdreg s3  }
0x27: {  	[dreg:$0x3] =	wrdreg s5  }
0x28: {  	[dreg:$0x4] =	wrdreg $0xC0  }
0x29: {  	_ =	task [dreg:s7], $0x5FFFF  }
0x2a: {  	[dreg:$0x1] =	wrdreg $0xFFFFFFFF  }
0x2b: {  	[dreg:$0x0] =	wrdreg $0x60  }
0x2c: {  	[dreg:$0x2] =	wrdreg s25  }
0x2d: {  	[dreg:$0x3] =	wrdreg s17  }
0x2e: {  	[dreg:$0x4] =	wrdreg $0xA  }
0x2f: {  	_ =	task.clear_ibuf [dreg:s7], $0x5FFFF;
	_ =	strace $0x90000049  }
0x30: {  	s29 =	simm.s32 $0xA;
	_ =	strace $0x8000004B  }
0x31: {  	_ =	swait.ge [sflag:s29], $0x1  }
0x32: {  	[sflag:s29] =	ssyncadd.s32 $0xFFFFFFFF  }
0x33: {  	_ =	strace $0x9000004B  }
0x34: {  	_ =	sfence  }
0x35: {  	s30 =	sld [smem:$0x0];
	_ =	sdelay $0x2  }
0x36: {  	s31 =	sshll.u32 s1, $0xD;
	s1 =	sshrl.u32 s1, $0x2  }
0x37: {  	s3 =	sand.u32 $0x4000, s31;
	s1 =	sadd.s32 s1, s30  }
0x38: {  	s0 =	sor.u32 s3, s0;
	s1 =	sshll.u32 s1, $0x11  }
0x39: {  	s0 =	sor.u32 s1, s0  }
0x3a: {  	s0 =	sadd.s32 $0x8F2B, s0  }
0x3b: {  	[sflag:s0] =	ssyncadd.remote.s32 $0x1  }
0x3c: {  	_ =	sfence.sel $0xFFFF  }
0x3d: {  	[dreg:$0x0] =	wrdreg $0xFFFFFFFF;
	(pc) =	sbr.abs _section_cstart, $3  }
0x3e: {  	[dreg:$0x1] =	wrdreg $0xFFFFFFFF  }
0x3f: {  	_ =	task.clear_ibuf [dreg:s7], $0x2FFFF;
	_ =	strace $0x9FFFFFFF  }
0x40: {  	(tm) =	ssettm $0x7FFFFFFF  }
0x41: {  	_ =	shalt  }
tec
execute0_lowered:
.L_overlay_start_1:
0x0: {  	(tag) =	ssettag $0x1  }
0x1: {  	s7 =	rddreg [dreg:$0x0]  }
0x2: {  	s0 =	srdreg.scid;
	s2 =	rddreg [dreg:$0x1];
	s5 =	simm.s32 $0x1  }
0x3: {  	s8 =	simm.s32 $0x2;
	s14 =	simm.s32 $0x0;
	s0 =	sshll.u32 s0, $0x7  }
0x4: {  	p0 =	por $0x0, $0x0;
	s9 =	simm.s32 $0x2000;
	s1 =	sand.u32 $0x80, s0  }
0x5: {  	s15 =	simm.s32 $0x0;
	s16 =	simm.s32 $0x0;
	s3 =	ssub.s32 $0x400, s1  }
0x6: {  	s11 =	simm.s32 $0x0;
	s12 =	stileid.u32;
	s4 =	sshrl.u32 s3, $0x7  }
.Ltmp0:
0x7: {  	s3 =	sshrl.u32 s3, $0x8;
	s6 =	sand.u32 $0x1, s4;
	(pc) =	sbr.rel .LBB1_1-.Ltmp0, $4  }
0x8: {  	s0 =	rddreg [dreg:$0x2];
	_ =	strace $0x8000004A;
	s3 =	sadd.s32 s3, s6  }
0x9: {  	s13 =	simm.s32 $0x0;
	[sflag:s5] =	ssyncpa.u1 $0x0;
	s6 =	smul.u32 $0xC, s3  }
0xa: {  	s10 =	smov.u32 s1;
	[sflag:s8] =	ssyncpa.u1 $0x0;
	s4 =	sadd.s32 $0x1200, s7  }
0xb: {  	s7 =	sadd.s32 $0x5200, s7;
	s3 =	stileid.u32;
	s8 =	sor.u32 $0x1, s6  }
.LBB1_7:
0xc: {  	s17 =	sadd.s32 $0x100, s10  }
0xd: {  	s14 =	sadd.s32 $0x2, s11;
	s18 =	smov.u32 s11;
	p2 =	sgt.s32 s17, $0x3FF  }
0xe: {  	s18 =	smov.u32 @p2 s14  }
0xf: {  	s20 =	smov.u32 s12;
	s14 =	sadd.s32 $0x10, s12;
	p3 =	sgt.s32 s18, $0x17  }
0x10: {  	s20 =	smov.u32 @p3 s14  }
0x11: {  	s17 =	smov.u32 @p2 s1;
	p2 =	sgt.s32 s20, $0xF  }
0x12: {  	p1 =	slt.u32 s13, $0x2;
	s20 =	smov.u32 @p2 s3;
	p2 =	sne.s32 s13, s8  }
.Ltmp1:
0x13: {  	s19 =	simm.s32 @!p1 $0x2;
	(pc) =	sbr.rel @!p2 .LBB1_8-.Ltmp1, $4  }
0x14: {  	s15 =	smov.u32 s11;
	s16 =	smov.u32 s12;
	_ =	swait.ge @!p1 [sflag:s19], $0x4000  }
0x15: {  	p0 =	por !p0, !p0;
	[sflag:s19] =	ssyncset.done @!p1 $0x0;
	s18 =	simm.s32 @p3 $0x0  }
0x16: {  	s14 =	smov.u32 s10;
	[sflag:s19] =	ssyncadd.s32 @!p1 $0xFFFFC000;
	s10 =	smov.u32 s17  }
0x17: {  	s11 =	smov.u32 s18;
	s13 =	sadd.s32 $0x1, s13;
	s12 =	smov.u32 s20  }
.LBB1_1:
0x18: {  	p1 =	sge.u32 s13, s6  }
0x19: {  	s17 =	smul.u32 @!p1 $0x60000, s12;
	s18 =	sxor.u32 @!p1 $0xFFFFFFFF, s13  }
0x1a: {  	s19 =	sshll.u32 @!p1 s11, $0xE;
	s21 =	sshll.u32 @!p1 s10, $0x4;
	s22 =	simm.s32 @!p1 $0x40  }
0x1b: {  	s23 =	simm.s32 @!p1 $0x80;
	s18 =	sshll.u32 @!p1 s18, $0xE;
	s20 =	sadd.s32 @!p1 s17, s19  }
0x1c: {  	s21 =	sand.u32 @!p1 $0x3FF0, s21;
	s17 =	sadd.s32 @!p1 s17, s7;
	s20 =	sadd.s32 @!p1 s4, s20  }
0x1d: {  	s18 =	sand.u32 @!p1 $0x4000, s18;
	s17 =	sadd.s32 @!p1 s19, s17;
	s20 =	sadd.s32 @!p1 s21, s20  }
0x1e: {  	[tilespmem:s18], [sflag:$0x1] =	stream.strided.gather @!p1 [hbm4b:s20+s22], $0x2000, s23, s22, $0x38;
	[tilespmem:$0x10100] =	vst v63  }
0x1f: {  	s31 =	sadd.s32 $0xFFFFFFFF, s13;
	s17 =	sadd.s32 @!p1 s21, s17;
	s18 =	sor.u32 @!p1 $0x2000, s18  }
0x20: {  	[tilespmem:s18], [sflag:$0x1] =	stream.strided.gather @!p1 [hbm4b:s17+s22], $0x2000, s23, s22, $0x38;
	[tilespmem:$0x10100] =	vst v63  }
0x21: {  	p1 =	sge.u32 s31, s6  }
.Ltmp2:
0x22: {  	_ = 	snop;
	(pc) =	sbr.rel @p1 .LBB1_7-.Ltmp2, $1  }
0x23: {  	_ =	sdelay $0x3  }
0x24: {  	s17 =	simm.s32 $0x1;
	s19 =	sand.u32 $0x1, s13  }
0x25: {  	_ =	swait.ge [sflag:s5], $0x4000;
	s17 =	simm.s32 @!p0 $0x0;
	s19 =	smul.u32 $0x10200, s19  }
0x26: {  	p2 =	por $0x1, $0x1;
	[sflag:s5] =	ssyncset.done $0x0;
	s18 =	smul.u32 $0x10200, s17  }
0x27: {  	s20 =	sshll.u32 s17, $0x10;
	[sflag:s5] =	ssyncadd.s32 $0xFFFFC000;
	s30 =	sshrl.u32 s19, $0x2  }
0x28: {  	s31 =	sshrl.u32 s20, $0x2;
	s20 =	simm.s32 $0x0;
	s18 =	sshrl.u32 s18, $0x2  }
0x29: {  	s17 =	sor.u32 $0x8000, s30;
	s19 =	sadd.s32 $0x20, s31;
	s18 =	sor.u32 $0x8000, s18  }
.LBB1_3:
0x2a: {  	s21 =	sshll.u32 s20, $0xD  }
0x2b: {  	s21 =	sand.u32 $0x3FFFE000, s21  }
0x2c: {  	s23 =	sadd.s32 s21, s19  }
0x2d: {  	s31 =	smul.u32 $0x8100, s20;
	v3 =	vld [tilespmem:s23+$0x10]  }
0x2e: {  	v1 =	vld [tilespmem:s23+$0xFFFFFFF0]  }
0x2f: {  	s20 =	sshra.s32 s31, $0x2;
	v0 =	vld [tilespmem:s23+$0x0]  }
0x30: {  	s20 =	sadd.s32 s20, s18;
	v2 =	vld [tilespmem:s23+$0xFFFFFFE0]  }
0x31: {  	s21 =	sadd.s32 $0x0, s20  }
0x32: {  	p1 =	por p2, p2;
	s22 =	simm.s32 $0x4;
	s23 =	sadd.s32 $0x40, s23;
	[tilespmem:s21+$0x1830 ss:$0x81] =	vst.msk $0xffff, v3  }
.LBB1_4:
0x33: {  	v3 =	vld [tilespmem:s23+$0x10];
	p2 =	sne.s32 s22, $0x1FC;
	[tilespmem:s21+$0x810 ss:$0x81] =	vst.msk $0xffff, v1;
	s24 =	smov.u32 s22;
	s22 =	sadd.s32 $0x4, s22  }
.Ltmp3:
0x34: {  	v1 =	vld [tilespmem:s23+$0xFFFFFFF0];
	[tilespmem:s21+$0x1020 ss:$0x81] =	vst.msk $0xffff, v0;
	(pc) =	sbr.rel @p2 .LBB1_4-.Ltmp3, $4  }
0x35: {  	v0 =	vld [tilespmem:s23+$0x0];
	[tilespmem:s21+$0x0 ss:$0x81] =	vst.msk $0xffff, v2  }
0x36: {  	s21 =	sshra.s32 s24, $0x2;
	v2 =	vld [tilespmem:s23+$0xFFFFFFE0]  }
0x37: {  	s21 =	sadd.s32 s21, s20  }
0x38: {  	s23 =	sadd.s32 $0x40, s23;
	[tilespmem:s21+$0x1830 ss:$0x81] =	vst.msk $0xffff, v3  }
.Ltmp4:
0x39: {  	(pc) =	sbr.rel @p1 .LBB1_3-.Ltmp4, $4  }
0x3a: {  	_ = 	snop  }
0x3b: {  	[tilespmem:s21+$0x810 ss:$0x81] =	vst.msk $0xffff, v1  }
0x3c: {  	[tilespmem:s21+$0x1020 ss:$0x81] =	vst.msk $0xffff, v0  }
0x3d: {  	s20 =	simm.s32 $0x1;
	p2 =	por $0x0, $0x0;
	[tilespmem:s21+$0x0 ss:$0x81] =	vst.msk $0xffff, v2  }
0x3e: {  	s16 =	smul.u32 $0x30000, s16  }
0x3f: {  	s18 =	sand.u32 $0x1F80, s14  }
.Ltmp5:
0x40: {  	s15 =	sshll.u32 s15, $0xD;
	s16 =	sadd.s32 s2, s16;
	(pc) =	sbr.rel .LBB1_7-.Ltmp5, $4  }
0x41: {  	s19 =	sshrl.u32 s14, $0x3;
	s30 =	sand.u32 $0x7, s14;
	s15 =	sadd.s32 s15, s16  }
0x42: {  	s31 =	sand.u32 $0xF, s19;
	s14 =	sshll.u32 s30, $0x12;
	s15 =	sadd.s32 s18, s15  }
0x43: {  	s14 =	sor.u32 $0x400, s14;
	s15 =	sadd.s32 s31, s15  }
0x44: {  	[hbm4b:s15+s14] =	stream.strided.scatter [tilespmem:s17], [sflag:$0x2], $0x4000, s9, s14, $0x20;
	[tilespmem:$0x10100] =	vst v63  }
.LBB1_8:
0x45: {  	_ =	sfence.sel $0x180000  }
0x46: {  	s1 =	simm.s32 $0x1;
	[bflag:$0x0] =	sbarrier.arrive $0xFFFF  }
0x47: {  	s31 =	simm.s32 $0x2;
	[sflag:s1] =	ssyncpa.u1 $0x1  }
0x48: {  	[sflag:s31] =	ssyncpa.u1 $0x1  }
0x49: {  	p0 =	sne.s32 s3, $0x0;
	_ =	strace $0x9000004A  }
0x4a: {  	s0 =	sadd.s32 @!p0 $0x100000, s0;
	[bflag:$0x2] =	sbarrier.arrive $0xFFFF  }
0x4b: {  	[sflag:s0] =	ssyncadd.tile.s32 @!p0 $0x1;
	_ =	shalt  }
.Lfunc_end1:
_tile_overlayer_lowered:
.L_overlay_start_2:
0x4c: {  	(tag) =	ssettag $0x2  }
0x4d: {  	s0 =	rddreg [dreg:$0x0];
	s2 =	stileid.u32  }
0x4e: {  	s1 =	rddreg [dreg:$0x1];
	p0 =	sne.s32 s2, $0x0  }
0x4f: {  	s3 =	rddreg [dreg:$0x2];
	[bflag:$0x3] =	sbarrier.arrive $0xFFFF;
	s2 =	simm.s32 @!p0 $0x1C01  }
0x50: {  	[timem:s3], [sflag:s2] =	dma.local @!p0 [hbm:s0], s1  }
0x51: {  	s0 =	simm.s32 @!p0 $0x1  }
0x52: {  	_ =	swait.ge @!p0 [sflag:s0], s1  }
0x53: {  	s1 =	ssub.s32 @!p0 $0x0, s1;
	[sflag:s0] =	ssyncset.done @!p0 $0x0  }
0x54: {  	[sflag:s0] =	ssyncadd.s32 @!p0 s1  }
0x55: {  	[bflag:$0x3] =	sbarrier.arrive $0xFFFF  }
0x56: {  	_ =	shalt  }

// kernel: sparse-core-data-format-call.cloned.1.call-start
scs
called_computation_lowered:
.L_overlay_start_0:
0x0: {  	s2 =	sld [smem:$0x3FD9]  }
0x1: {  	s3 =	sld [smem:$0x3FFE];
	_ =	sdelay $0x1  }
0x2: {  	s1 =	srdreg.scid  }
0x3: {  	s0 =	sand.u32 $0x1, s1  }
0x4: {  	s16 =	sshll.u32 s0, $0xA;
	s2 =	sadd.s32 s3, s2  }
0x5: {  	s2 =	sadd.s32 s2, s16  }
0x6: {  	[smem:$0x3FC3] =	sst s2  }
0x7: {  	_ = 	snop  }
0x8: {  	s2 =	sld [smem:$0x3FD0];
	_ =	sdelay $0x2  }
0x9: {  	s17 =	simm.s32 $0xB;
	s4 =	simm.s32 $0x10  }
0xa: {  	[smem:s4], [sflag:s17] =	dma.local [hbm:s2], $0x1  }
0xb: {  	_ =	swait.eq [sflag:s17], $0x1  }
0xc: {  	[sflag:s17] =	ssyncset.done $0x0  }
0xd: {  	[sflag:s17] =	ssyncadd.s32 $0xFFFFFFFF  }
0xe: {  	s18 =	sld [smem:$0x11];
	(tm) =	ssettm $0x1  }
0xf: {  	s19 =	sld [smem:$0x3FFB];
	_ =	sdelay $0x3  }
0x10: {  	_ =	strace s19  }
0x11: {  	s2 =	sld [smem:$0x3FFC];
	_ =	sdelay $0x3  }
0x12: {  	_ =	strace s2  }
0x13: {  	s2 =	sld [smem:$0x3FFD];
	_ =	sdelay $0x3  }
0x14: {  	_ =	strace s2  }
0x15: {  	_ =	strace $0x8FFFFFFF  }
0x16: {  	s20 =	sld [smem:$0x3FDB];
	_ =	sdelay $0x1  }
0x17: {  	s21 =	simm.s32 $_scs_section_size  }
0x18: {  	s5 =	simm.s32 $_size__tile_overlayer_lowered;
	s6 =	simm.s32 $_tile_overlayer_lowered  }
0x19: {  	s7 =	simm.s32 $0x1BFF;
	s22 =	sshll.u32 s6, $0x1;
	s4 =	sadd.s32 s21, s20  }
0x1a: {  	s23 =	simm.s32 $0x0;
	s5 =	sshll.u32 s5, $0x1;
	s6 =	sadd.s32 s22, s4  }
0x1b: {  	[timem:s23], [sflag:s7] =	dma.local [hbm:s6], s5  }
0x1c: {  	_ =	swait.ge [sflag:s7], s5  }
0x1d: {  	s5 =	ssub.s32 $0x0, s5;
	[sflag:s7] =	ssyncset.done $0x0  }
0x1e: {  	[sflag:s7] =	ssyncadd.s32 s5;
	_ =	sdelay $0x1  }
0x1f: {  	s24 =	simm.s32 $0x1B8B  }
0x20: {  	_ =	swait.ge [sflag:s24], $0x1  }
0x21: {  	[sflag:s24] =	ssyncset.done $0x0  }
0x22: {  	[sflag:s24] =	ssyncadd.s32 $0xFFFFFFFF  }
0x23: {  	s5 =	sld [smem:$0x0]  }
0x24: {  	s6 =	sand.u32 $0xFFFFFFFE, s1  }
0x25: {  	p0 =	sne.s32 s1, s6  }
0x26: {  	s6 =	sshll.u32 @p0 s6, $0xE  }
0x27: {  	s6 =	sadd.s32 @p0 $0x11B8D, s6;
	s7 =	sshll.u32 @p0 s5, $0x11  }
0x28: {  	s6 =	sor.u32 @p0 s7, s6  }
0x29: {  	[sflag:s6] =	ssyncadd.remote.s32 @p0 $0x1;
	_ =	sdelay $0x1  }
0x2a: {  	s6 =	simm.s32 @p0 $0x1B8D  }
0x2b: {  	_ =	swait.eq @p0 [sflag:s6], $0x1  }
0x2c: {  	[sflag:s6] =	ssyncadd.s32 @p0 $0xFFFFFFFF  }
0x2d: {  	s7 =	sshll.u32 @!p0 s1, $0xE  }
0x2e: {  	s7 =	sor.u32 @!p0 $0x4000, s7;
	s6 =	simm.s32 @!p0 $0x1B8D  }
0x2f: {  	s5 =	sshll.u32 @!p0 s5, $0x11;
	s7 =	sadd.s32 @!p0 $0x11B8D, s7;
	_ =	swait.eq @!p0 [sflag:s6], $0x1  }
0x30: {  	s5 =	sor.u32 @!p0 s5, s7;
	[sflag:s6] =	ssyncadd.s32 @!p0 $0xFFFFFFFF  }
0x31: {  	s26 =	simm.s32 $0x1B8E;
	s25 =	sld [smem:$0x3FFE];
	[sflag:s5] =	ssyncadd.remote.s32 @!p0 $0x1  }
0x32: {  	s27 =	simm.s32 $execute0_lowered;
	[smem:$0x3FD2] =	sst s26  }
0x33: {  	s6 =	sshll.u32 s27, $0x1;
	_ =	strace $0x8000004C;
	[dreg:$0x1] =	wrdreg $0xFFFFFFFF  }
0x34: {  	s28 =	simm.s32 $_size_execute0_lowered;
	s4 =	sadd.s32 s4, s6;
	[dreg:$0x0] =	wrdreg $0x0  }
0x35: {  	s6 =	sshll.u32 s28, $0x1;
	[dreg:$0x2] =	wrdreg s4  }
0x36: {  	[dreg:$0x3] =	wrdreg s6  }
0x37: {  	[dreg:$0x4] =	wrdreg $0xC0  }
0x38: {  	_ =	task [dreg:s23], $0x5FFFF  }
0x39: {  	[dreg:$0x1] =	wrdreg $0xFFFFFFFF  }
0x3a: {  	[dreg:$0x0] =	wrdreg $0x60  }
0x3b: {  	[dreg:$0x2] =	wrdreg s25  }
0x3c: {  	[dreg:$0x3] =	wrdreg s18  }
0x3d: {  	[dreg:$0x4] =	wrdreg $0x9  }
0x3e: {  	_ =	task.clear_ibuf [dreg:s23], $0x5FFFF;
	_ =	strace $0x9000004C  }
0x3f: {  	s29 =	simm.s32 $0x9;
	_ =	strace $0x8000004E  }
0x40: {  	_ =	swait.ge [sflag:s29], $0x1  }
0x41: {  	[sflag:s29] =	ssyncadd.s32 $0xFFFFFFFF  }
0x42: {  	_ =	strace $0x9000004E  }
0x43: {  	_ =	sfence  }
0x44: {  	s30 =	sld [smem:$0x0];
	_ =	sdelay $0x2  }
0x45: {  	s31 =	sshll.u32 s1, $0xD;
	s1 =	sshrl.u32 s1, $0x2  }
0x46: {  	s4 =	sand.u32 $0x4000, s31;
	s1 =	sadd.s32 s1, s30  }
0x47: {  	s0 =	sor.u32 s4, s0;
	s1 =	sshll.u32 s1, $0x11  }
0x48: {  	s0 =	sor.u32 s1, s0  }
0x49: {  	s0 =	sadd.s32 $0x8F2B, s0  }
0x4a: {  	[sflag:s0] =	ssyncadd.remote.s32 $0x1  }
0x4b: {  	_ =	sfence.sel $0xFFFF  }
0x4c: {  	[dreg:$0x0] =	wrdreg $0xFFFFFFFF;
	(pc) =	sbr.abs _section_cstart, $3  }
0x4d: {  	[dreg:$0x1] =	wrdreg $0xFFFFFFFF  }
0x4e: {  	_ =	task.clear_ibuf [dreg:s23], $0x2FFFF;
	_ =	strace $0x9FFFFFFF  }
0x4f: {  	(tm) =	ssettm $0x7FFFFFFF  }
tec
execute0_lowered:
.L_overlay_start_1:
0x0: {  	(tag) =	ssettag $0x1  }
0x1: {  	s7 =	rddreg [dreg:$0x0]  }
0x2: {  	s0 =	srdreg.scid;
	s2 =	rddreg [dreg:$0x1];
	s5 =	simm.s32 $0x1  }
0x3: {  	s8 =	simm.s32 $0x2;
	s14 =	simm.s32 $0x0;
	s0 =	sshll.u32 s0, $0x7  }
0x4: {  	p0 =	por $0x0, $0x0;
	s9 =	simm.s32 $0x2000;
	s1 =	sand.u32 $0x80, s0  }
0x5: {  	s15 =	simm.s32 $0x0;
	s16 =	simm.s32 $0x0;
	s3 =	ssub.s32 $0x400, s1  }
0x6: {  	s11 =	simm.s32 $0x0;
	s12 =	stileid.u32;
	s4 =	sshrl.u32 s3, $0x7  }
.Ltmp0:
0x7: {  	s3 =	sshrl.u32 s3, $0x8;
	s6 =	sand.u32 $0x1, s4;
	(pc) =	sbr.rel .LBB1_1-.Ltmp0, $4  }
0x8: {  	s0 =	rddreg [dreg:$0x2];
	_ =	strace $0x8000004D;
	s3 =	sadd.s32 s3, s6  }
0x9: {  	s13 =	simm.s32 $0x0;
	[sflag:s5] =	ssyncpa.u1 $0x0;
	s6 =	smul.u32 $0xC, s3  }
0xa: {  	s10 =	smov.u32 s1;
	[sflag:s8] =	ssyncpa.u1 $0x0;
	s4 =	sadd.s32 $0x601200, s7  }
0xb: {  	s7 =	sadd.s32 $0x605200, s7;
	s3 =	stileid.u32;
	s8 =	sor.u32 $0x1, s6  }
.LBB1_7:
0xc: {  	s17 =	sadd.s32 $0x100, s10  }
0xd: {  	s14 =	sadd.s32 $0x2, s11;
	s18 =	smov.u32 s11;
	p2 =	sgt.s32 s17, $0x3FF  }
0xe: {  	s18 =	smov.u32 @p2 s14  }
0xf: {  	s20 =	smov.u32 s12;
	s14 =	sadd.s32 $0x10, s12;
	p3 =	sgt.s32 s18, $0x17  }
0x10: {  	s20 =	smov.u32 @p3 s14  }
0x11: {  	s17 =	smov.u32 @p2 s1;
	p2 =	sgt.s32 s20, $0xF  }
0x12: {  	p1 =	slt.u32 s13, $0x2;
	s20 =	smov.u32 @p2 s3;
	p2 =	sne.s32 s13, s8  }
.Ltmp1:
0x13: {  	s19 =	simm.s32 @!p1 $0x2;
	(pc) =	sbr.rel @!p2 .LBB1_8-.Ltmp1, $4  }
0x14: {  	s15 =	smov.u32 s11;
	s16 =	smov.u32 s12;
	_ =	swait.ge @!p1 [sflag:s19], $0x4000  }
0x15: {  	p0 =	por !p0, !p0;
	[sflag:s19] =	ssyncset.done @!p1 $0x0;
	s18 =	simm.s32 @p3 $0x0  }
0x16: {  	s14 =	smov.u32 s10;
	[sflag:s19] =	ssyncadd.s32 @!p1 $0xFFFFC000;
	s10 =	smov.u32 s17  }
0x17: {  	s11 =	smov.u32 s18;
	s13 =	sadd.s32 $0x1, s13;
	s12 =	smov.u32 s20  }
.LBB1_1:
0x18: {  	p1 =	sge.u32 s13, s6  }
0x19: {  	s17 =	smul.u32 @!p1 $0x60000, s12;
	s18 =	sxor.u32 @!p1 $0xFFFFFFFF, s13  }
0x1a: {  	s19 =	sshll.u32 @!p1 s11, $0xE;
	s21 =	sshll.u32 @!p1 s10, $0x4;
	s22 =	simm.s32 @!p1 $0x40  }
0x1b: {  	s23 =	simm.s32 @!p1 $0x80;
	s18 =	sshll.u32 @!p1 s18, $0xE;
	s20 =	sadd.s32 @!p1 s17, s19  }
0x1c: {  	s21 =	sand.u32 @!p1 $0x3FF0, s21;
	s17 =	sadd.s32 @!p1 s17, s7;
	s20 =	sadd.s32 @!p1 s4, s20  }
0x1d: {  	s18 =	sand.u32 @!p1 $0x4000, s18;
	s17 =	sadd.s32 @!p1 s19, s17;
	s20 =	sadd.s32 @!p1 s21, s20  }
0x1e: {  	[tilespmem:s18], [sflag:$0x1] =	stream.strided.gather @!p1 [hbm4b:s20+s22], $0x2000, s23, s22, $0x38;
	[tilespmem:$0x10100] =	vst v63  }
0x1f: {  	s31 =	sadd.s32 $0xFFFFFFFF, s13;
	s17 =	sadd.s32 @!p1 s21, s17;
	s18 =	sor.u32 @!p1 $0x2000, s18  }
0x20: {  	[tilespmem:s18], [sflag:$0x1] =	stream.strided.gather @!p1 [hbm4b:s17+s22], $0x2000, s23, s22, $0x38;
	[tilespmem:$0x10100] =	vst v63  }
0x21: {  	p1 =	sge.u32 s31, s6  }
.Ltmp2:
0x22: {  	_ = 	snop;
	(pc) =	sbr.rel @p1 .LBB1_7-.Ltmp2, $1  }
0x23: {  	_ =	sdelay $0x3  }
0x24: {  	s17 =	simm.s32 $0x1;
	s19 =	sand.u32 $0x1, s13  }
0x25: {  	_ =	swait.ge [sflag:s5], $0x4000;
	s17 =	simm.s32 @!p0 $0x0;
	s19 =	smul.u32 $0x10200, s19  }
0x26: {  	p2 =	por $0x1, $0x1;
	[sflag:s5] =	ssyncset.done $0x0;
	s18 =	smul.u32 $0x10200, s17  }
0x27: {  	s20 =	sshll.u32 s17, $0x10;
	[sflag:s5] =	ssyncadd.s32 $0xFFFFC000;
	s30 =	sshrl.u32 s19, $0x2  }
0x28: {  	s31 =	sshrl.u32 s20, $0x2;
	s20 =	simm.s32 $0x0;
	s18 =	sshrl.u32 s18, $0x2  }
0x29: {  	s17 =	sor.u32 $0x8000, s30;
	s19 =	sadd.s32 $0x20, s31;
	s18 =	sor.u32 $0x8000, s18  }
.LBB1_3:
0x2a: {  	s21 =	sshll.u32 s20, $0xD  }
0x2b: {  	s21 =	sand.u32 $0x3FFFE000, s21  }
0x2c: {  	s23 =	sadd.s32 s21, s19  }
0x2d: {  	s31 =	smul.u32 $0x8100, s20;
	v3 =	vld [tilespmem:s23+$0x10]  }
0x2e: {  	v1 =	vld [tilespmem:s23+$0xFFFFFFF0]  }
0x2f: {  	s20 =	sshra.s32 s31, $0x2;
	v0 =	vld [tilespmem:s23+$0x0]  }
0x30: {  	s20 =	sadd.s32 s20, s18;
	v2 =	vld [tilespmem:s23+$0xFFFFFFE0]  }
0x31: {  	s21 =	sadd.s32 $0x0, s20  }
0x32: {  	p1 =	por p2, p2;
	s22 =	simm.s32 $0x4;
	s23 =	sadd.s32 $0x40, s23;
	[tilespmem:s21+$0x1830 ss:$0x81] =	vst.msk $0xffff, v3  }
.LBB1_4:
0x33: {  	v3 =	vld [tilespmem:s23+$0x10];
	p2 =	sne.s32 s22, $0x1FC;
	[tilespmem:s21+$0x810 ss:$0x81] =	vst.msk $0xffff, v1;
	s24 =	smov.u32 s22;
	s22 =	sadd.s32 $0x4, s22  }
.Ltmp3:
0x34: {  	v1 =	vld [tilespmem:s23+$0xFFFFFFF0];
	[tilespmem:s21+$0x1020 ss:$0x81] =	vst.msk $0xffff, v0;
	(pc) =	sbr.rel @p2 .LBB1_4-.Ltmp3, $4  }
0x35: {  	v0 =	vld [tilespmem:s23+$0x0];
	[tilespmem:s21+$0x0 ss:$0x81] =	vst.msk $0xffff, v2  }
0x36: {  	s21 =	sshra.s32 s24, $0x2;
	v2 =	vld [tilespmem:s23+$0xFFFFFFE0]  }
0x37: {  	s21 =	sadd.s32 s21, s20  }
0x38: {  	s23 =	sadd.s32 $0x40, s23;
	[tilespmem:s21+$0x1830 ss:$0x81] =	vst.msk $0xffff, v3  }
.Ltmp4:
0x39: {  	(pc) =	sbr.rel @p1 .LBB1_3-.Ltmp4, $4  }
0x3a: {  	_ = 	snop  }
0x3b: {  	[tilespmem:s21+$0x810 ss:$0x81] =	vst.msk $0xffff, v1  }
0x3c: {  	[tilespmem:s21+$0x1020 ss:$0x81] =	vst.msk $0xffff, v0  }
0x3d: {  	s20 =	simm.s32 $0x1;
	p2 =	por $0x0, $0x0;
	[tilespmem:s21+$0x0 ss:$0x81] =	vst.msk $0xffff, v2  }
0x3e: {  	s16 =	smul.u32 $0x30000, s16  }
0x3f: {  	s18 =	sand.u32 $0x1F80, s14  }
.Ltmp5:
0x40: {  	s15 =	sshll.u32 s15, $0xD;
	s16 =	sadd.s32 s2, s16;
	(pc) =	sbr.rel .LBB1_7-.Ltmp5, $4  }
0x41: {  	s19 =	sshrl.u32 s14, $0x3;
	s30 =	sand.u32 $0x7, s14;
	s15 =	sadd.s32 s15, s16  }
0x42: {  	s31 =	sand.u32 $0xF, s19;
	s14 =	sshll.u32 s30, $0x12;
	s15 =	sadd.s32 s18, s15  }
0x43: {  	s14 =	sor.u32 $0x400, s14;
	s15 =	sadd.s32 s31, s15  }
0x44: {  	[hbm4b:s15+s14] =	stream.strided.scatter [tilespmem:s17], [sflag:$0x2], $0x4000, s9, s14, $0x20;
	[tilespmem:$0x10100] =	vst v63  }
.LBB1_8:
0x45: {  	_ =	sfence.sel $0x180000  }
0x46: {  	s1 =	simm.s32 $0x1;
	[bflag:$0x0] =	sbarrier.arrive $0xFFFF  }
0x47: {  	s31 =	simm.s32 $0x2;
	[sflag:s1] =	ssyncpa.u1 $0x1  }
0x48: {  	[sflag:s31] =	ssyncpa.u1 $0x1  }
0x49: {  	p0 =	sne.s32 s3, $0x0;
	_ =	strace $0x9000004D  }
0x4a: {  	s0 =	sadd.s32 @!p0 $0x100000, s0;
	[bflag:$0x2] =	sbarrier.arrive $0xFFFF  }
0x4b: {  	[sflag:s0] =	ssyncadd.tile.s32 @!p0 $0x1;
	_ =	shalt  }
.Lfunc_end1:
_tile_overlayer_lowered:
.L_overlay_start_2:
0x4c: {  	(tag) =	ssettag $0x2  }
0x4d: {  	s0 =	rddreg [dreg:$0x0];
	s2 =	stileid.u32  }
0x4e: {  	s1 =	rddreg [dreg:$0x1];
	p0 =	sne.s32 s2, $0x0  }
0x4f: {  	s3 =	rddreg [dreg:$0x2];
	[bflag:$0x3] =	sbarrier.arrive $0xFFFF;
	s2 =	simm.s32 @!p0 $0x1C01  }
0x50: {  	[timem:s3], [sflag:s2] =	dma.local @!p0 [hbm:s0], s1  }
0x51: {  	s0 =	simm.s32 @!p0 $0x1  }
0x52: {  	_ =	swait.ge @!p0 [sflag:s0], s1  }
0x53: {  	s1 =	ssub.s32 @!p0 $0x0, s1;
	[sflag:s0] =	ssyncset.done @!p0 $0x0  }
0x54: {  	[sflag:s0] =	ssyncadd.s32 @!p0 s1  }
0x55: {  	[bflag:$0x3] =	sbarrier.arrive $0xFFFF  }
0x56: {  	_ =	shalt  }

</sc_bundles>
